<compile_context>
chip_gen: v7x
topology: tpu7x:2x2x1
jax: 0.10.2.dev20260603
libtpu: 0.0.44.dev20260713+nightly
codegen_flags: <defaults>
</compile_context>

<pallas_src>
import functools

import jax
import jax.numpy as jnp
from jax import lax
from jax.experimental import pallas as pl
from jax.experimental.pallas import tpu as pltpu
from jax.experimental.pallas import tpu_sc as plsc

NUM_ROWS = 100000
LENGTH = 64
BATCH = 16384

NUM_CORES = 2
NUM_SUBCORES = 16
NUM_WORKERS = NUM_CORES * NUM_SUBCORES
COLS_PER_TILE = LENGTH // NUM_WORKERS
LANES = 16
CHUNK = 4096
NCHUNK = BATCH // CHUNK


def _sc_body(xT_hbm, idx_hbm, bT_hbm, outT_hbm,
             idx_sh, col_v, xb0, xb1, ob0, ob1, ib0, ib1,
             semc, sx0, sx1, so0, so1, si0, si1):
    sid = lax.axis_index("s")
    wid = sid * NUM_CORES + lax.axis_index("c")
    xbufs = (xb0, xb1)
    obufs = (ob0, ob1)
    ibufs = (ib0, ib1)
    sxs = (sx0, sx1)
    sos = (so0, so1)
    sis = (si0, si1)

    @pl.when(sid == 0)
    def _():
        pltpu.sync_copy(idx_hbm, idx_sh)

    plsc.subcore_barrier()

    ocp = [None, None]
    for cc in range(COLS_PER_TILE):
        c = wid * COLS_PER_TILE + cc
        ccp = pltpu.async_copy(bT_hbm.at[c], col_v, semc)
        xcp = [None, None]
        icp = [None, None]
        xcp[0] = pltpu.async_copy(
            xT_hbm.at[c, pl.ds(0, CHUNK)], xbufs[0], sxs[0])
        icp[0] = pltpu.async_copy(
            idx_sh.at[pl.ds(0, CHUNK)], ibufs[0], sis[0])
        ccp.wait()
        for j in range(NCHUNK):
            cur = j & 1
            nxt = (j + 1) & 1
            if j + 1 < NCHUNK:
                xcp[nxt] = pltpu.async_copy(
                    xT_hbm.at[c, pl.ds((j + 1) * CHUNK, CHUNK)],
                    xbufs[nxt], sxs[nxt])
                icp[nxt] = pltpu.async_copy(
                    idx_sh.at[pl.ds((j + 1) * CHUNK, CHUNK)],
                    ibufs[nxt], sis[nxt])
            xcp[cur].wait()
            icp[cur].wait()
            if ocp[cur] is not None:
                ocp[cur].wait()
                ocp[cur] = None
            x_v = xbufs[cur]
            o_v = obufs[cur]
            i_v = ibufs[cur]

            @plsc.parallel_loop(0, CHUNK, LANES, unroll=4)
            def do_vec(k):
                iv = i_v[pl.ds(k, LANES)]
                vals = plsc.load_gather(col_v, [iv])
                o_v[pl.ds(k, LANES)] = vals + x_v[pl.ds(k, LANES)]

            ocp[cur] = pltpu.async_copy(
                o_v, outT_hbm.at[c, pl.ds(j * CHUNK, CHUNK)], sos[cur])
    ocp[0].wait()
    ocp[1].wait()


@jax.jit
def _run(xT, batch, bT):
    mesh = plsc.VectorSubcoreMesh(
        core_axis_name="c", subcore_axis_name="s",
        num_cores=NUM_CORES, num_subcores=NUM_SUBCORES,
    )
    return pl.kernel(
        _sc_body,
        out_type=jax.ShapeDtypeStruct((LENGTH, BATCH), jnp.float32),
        mesh=mesh,
        scratch_types=[
            pltpu.VMEM_SHARED((BATCH,), jnp.int32),
            pltpu.VMEM((NUM_ROWS,), jnp.float32),
            pltpu.VMEM((CHUNK,), jnp.float32),
            pltpu.VMEM((CHUNK,), jnp.float32),
            pltpu.VMEM((CHUNK,), jnp.float32),
            pltpu.VMEM((CHUNK,), jnp.float32),
            pltpu.VMEM((CHUNK,), jnp.int32),
            pltpu.VMEM((CHUNK,), jnp.int32),
            pltpu.SemaphoreType.DMA,
            pltpu.SemaphoreType.DMA,
            pltpu.SemaphoreType.DMA,
            pltpu.SemaphoreType.DMA,
            pltpu.SemaphoreType.DMA,
            pltpu.SemaphoreType.DMA,
            pltpu.SemaphoreType.DMA,
        ],
        compiler_params=pltpu.CompilerParams(needs_layout_passes=False),
    )(xT, batch, bT)


def kernel(x, batch, b):
    outT = _run(x.T, batch.astype(jnp.int32), b.T)
    return outT.T

# --- scband reference (transcript-rebuilt; emitter-appended) ---
"""Pipeline reference for scband-prompt-16819091931233 (READ-ONLY COPY).

The authoritative reference and input builder live on the scoring server;
editing this copy changes nothing except your own understanding.
"""

import jax, jax.numpy as jnp
import numpy as np

NUM_ROWS = 100000
LENGTH = 64
BATCH = 16384
ADV = 0.001

def setup_inputs(seed: int = 0) -> dict:
    key = jax.random.key(seed)
    k1, k2, k3 = jax.random.split(key, 3)
    x = jax.random.normal(k1, (BATCH, LENGTH), dtype=jnp.float32)
    batch = jax.random.randint(k2, (BATCH,), 0, NUM_ROWS, dtype=jnp.int64 if jax.config.jax_enable_x64 else jnp.int32)
    b = jax.random.uniform(k3, (NUM_ROWS, LENGTH), dtype=jnp.float32, minval=-ADV, maxval=ADV)
    return {"x": x, "batch": batch, "b": b}

def reference(x, batch, b):
    # Faithful translation of Prompt.forward: x + self.b[batch]
    gathered = jnp.take(b, batch, axis=0)
    return x + gathered

if __name__ == "__main__":
    import jax
    _d = setup_inputs()
    print(jax.jit(kernel)(*tuple(_d.values())))

</pallas_src>

<mosaic_0001>
#map = affine_map<(d0, d1) -> (0, 0)>
#map1 = affine_map<(d0, d1) -> (0)>
module attributes {stable_mosaic.version = 14 : i64} {
  func.func @_sc_body(%arg0: i32, %arg1: i32, %arg2: memref<64x16384xf32, #tpu.memory_space<hbm>>, %arg3: memref<16384xi32, #tpu.memory_space<hbm>>, %arg4: memref<64x100000xf32, #tpu.memory_space<hbm>>, %arg5: memref<64x16384xf32, #tpu.memory_space<hbm>>, %arg6: memref<16384xi32, #tpu.memory_space<vmem_shared>>, %arg7: memref<100000xf32, #tpu.memory_space<vmem>>, %arg8: memref<4096xf32, #tpu.memory_space<vmem>>, %arg9: memref<4096xf32, #tpu.memory_space<vmem>>, %arg10: memref<4096xf32, #tpu.memory_space<vmem>>, %arg11: memref<4096xf32, #tpu.memory_space<vmem>>, %arg12: memref<4096xi32, #tpu.memory_space<vmem>>, %arg13: memref<4096xi32, #tpu.memory_space<vmem>>, %arg14: memref<!tpu.dma_semaphore, #tpu.memory_space<semaphore_mem>>, %arg15: memref<!tpu.dma_semaphore, #tpu.memory_space<semaphore_mem>>, %arg16: memref<!tpu.dma_semaphore, #tpu.memory_space<semaphore_mem>>, %arg17: memref<!tpu.dma_semaphore, #tpu.memory_space<semaphore_mem>>, %arg18: memref<!tpu.dma_semaphore, #tpu.memory_space<semaphore_mem>>, %arg19: memref<!tpu.dma_semaphore, #tpu.memory_space<semaphore_mem>>, %arg20: memref<!tpu.dma_semaphore, #tpu.memory_space<semaphore_mem>>) attributes {dimension_semantics = [#tpu.dimension_semantics<core_parallel>, #tpu.dimension_semantics<subcore_parallel>], iteration_bounds = array<i64: 2, 16>, scalar_prefetch = 0 : i64, scratch_operands = 15 : i64, tpu.core_type = #tpu.core_type<sc_vector_subcore>, window_params = [{transform_indices = #map}, {transform_indices = #map1}, {transform_indices = #map}, {transform_indices = #map}]} {
    %mul3A = arith.constant 2 : i32
    %mul3A_0 = arith.muli %arg1, %mul3A : i32
    %add3A = arith.addi %mul3A_0, %arg0 : i32
    %eq3A = arith.constant 0 : i32
    %eq3A_1 = arith.cmpi eq, %arg1, %eq3A : i32
    %convert_element_type3A = arith.extui %eq3A_1 : i1 to i32
    %cond3A = arith.constant 0 : i32
    %cond3A_2 = arith.cmpi ne, %convert_element_type3A, %cond3A : i32
    scf.if %cond3A_2 {
      "tpu.region"() ({
        %run_scoped3A = tpu.sem_alloc : memref<!tpu.dma_semaphore, #tpu.memory_space<semaphore_mem>>
        tpu.enqueue_dma source(%arg3 : memref<16384xi32, #tpu.memory_space<hbm>>) target(%arg6 : memref<16384xi32, #tpu.memory_space<vmem_shared>>) target_semaphore(%run_scoped3A : memref<!tpu.dma_semaphore, #tpu.memory_space<semaphore_mem>>)
        tpu.wait_dma2 semaphore(%run_scoped3A : memref<!tpu.dma_semaphore, #tpu.memory_space<semaphore_mem>>) src(%arg3 : memref<16384xi32, #tpu.memory_space<hbm>>) dst(%arg6 : memref<16384xi32, #tpu.memory_space<vmem_shared>>)
        tpu.yield
      }) : () -> ()
    } else {
    }
    %barrier3A = arith.constant 0 : index
    tpu.barrier barrier_id(%barrier3A)
    %mul3A_3 = arith.constant 2 : i32
    %mul3A_4 = arith.muli %add3A, %mul3A_3 : i32
    %add3A_5 = arith.constant 0 : i32
    %add3A_6 = arith.addi %mul3A_4, %add3A_5 : i32
    %dma_start3A = arith.constant 0 : i32
    %dma_start3A_7 = tpu.memref_slice %arg4[%add3A_6, %dma_start3A] : memref<64x100000xf32, #tpu.memory_space<hbm>> -> memref<1x100000xf32, #tpu.memory_space<hbm>>
    %dma_start3A_8 = tpu.memref_squeeze %dma_start3A_7 : memref<1x100000xf32, #tpu.memory_space<hbm>> -> memref<100000xf32, #tpu.memory_space<hbm>>
    %dma_start3A_9 = arith.constant 0 : i32
    %dma_start3A_10 = tpu.memref_slice %arg4[%add3A_6, %dma_start3A_9] : memref<64x100000xf32, #tpu.memory_space<hbm>> -> memref<1x100000xf32, #tpu.memory_space<hbm>>
    %dma_start3A_11 = tpu.memref_squeeze %dma_start3A_10 : memref<1x100000xf32, #tpu.memory_space<hbm>> -> memref<100000xf32, #tpu.memory_space<hbm>>
    tpu.enqueue_dma source(%dma_start3A_11 : memref<100000xf32, #tpu.memory_space<hbm>>) target(%arg7 : memref<100000xf32, #tpu.memory_space<vmem>>) target_semaphore(%arg14 : memref<!tpu.dma_semaphore, #tpu.memory_space<semaphore_mem>>)
    %dma_start3A_12 = arith.constant 0 : i32
    %dma_start3A_13 = tpu.memref_slice %arg2[%add3A_6, %dma_start3A_12] : memref<64x16384xf32, #tpu.memory_space<hbm>> -> memref<1x4096xf32, #tpu.memory_space<hbm>>
    %dma_start3A_14 = tpu.memref_squeeze %dma_start3A_13 : memref<1x4096xf32, #tpu.memory_space<hbm>> -> memref<4096xf32, #tpu.memory_space<hbm>>
    %dma_start3A_15 = arith.constant 0 : i32
    %dma_start3A_16 = tpu.memref_slice %arg2[%add3A_6, %dma_start3A_15] : memref<64x16384xf32, #tpu.memory_space<hbm>> -> memref<1x4096xf32, #tpu.memory_space<hbm>>
    %dma_start3A_17 = tpu.memref_squeeze %dma_start3A_16 : memref<1x4096xf32, #tpu.memory_space<hbm>> -> memref<4096xf32, #tpu.memory_space<hbm>>
    tpu.enqueue_dma source(%dma_start3A_17 : memref<4096xf32, #tpu.memory_space<hbm>>) target(%arg8 : memref<4096xf32, #tpu.memory_space<vmem>>) target_semaphore(%arg15 : memref<!tpu.dma_semaphore, #tpu.memory_space<semaphore_mem>>)
    %dma_start3A_18 = arith.constant 0 : i32
    %dma_start3A_19 = tpu.memref_slice %arg6[%dma_start3A_18] : memref<16384xi32, #tpu.memory_space<vmem_shared>> -> memref<4096xi32, #tpu.memory_space<vmem_shared>>
    %dma_start3A_20 = arith.constant 0 : i32
    %dma_start3A_21 = tpu.memref_slice %arg6[%dma_start3A_20] : memref<16384xi32, #tpu.memory_space<vmem_shared>> -> memref<4096xi32, #tpu.memory_space<vmem_shared>>
    tpu.enqueue_dma source(%dma_start3A_21 : memref<4096xi32, #tpu.memory_space<vmem_shared>>) target(%arg12 : memref<4096xi32, #tpu.memory_space<vmem>>) target_semaphore(%arg19 : memref<!tpu.dma_semaphore, #tpu.memory_space<semaphore_mem>>)
    %dma_wait3A = arith.constant 0 : i32
    %dma_wait3A_22 = tpu.memref_slice %arg4[%add3A_6, %dma_wait3A] : memref<64x100000xf32, #tpu.memory_space<hbm>> -> memref<1x100000xf32, #tpu.memory_space<hbm>>
    %dma_wait3A_23 = tpu.memref_squeeze %dma_wait3A_22 : memref<1x100000xf32, #tpu.memory_space<hbm>> -> memref<100000xf32, #tpu.memory_space<hbm>>
    %dma_wait3A_24 = arith.constant 0 : i32
    %dma_wait3A_25 = tpu.memref_slice %arg4[%add3A_6, %dma_wait3A_24] : memref<64x100000xf32, #tpu.memory_space<hbm>> -> memref<1x100000xf32, #tpu.memory_space<hbm>>
    %dma_wait3A_26 = tpu.memref_squeeze %dma_wait3A_25 : memref<1x100000xf32, #tpu.memory_space<hbm>> -> memref<100000xf32, #tpu.memory_space<hbm>>
    tpu.wait_dma2 semaphore(%arg14 : memref<!tpu.dma_semaphore, #tpu.memory_space<semaphore_mem>>) src(%dma_wait3A_26 : memref<100000xf32, #tpu.memory_space<hbm>>) dst(%arg7 : memref<100000xf32, #tpu.memory_space<vmem>>)
    %dma_start3A_27 = arith.constant 4096 : i32
    %dma_start3A_28 = tpu.memref_slice %arg2[%add3A_6, %dma_start3A_27] : memref<64x16384xf32, #tpu.memory_space<hbm>> -> memref<1x4096xf32, #tpu.memory_space<hbm>>
    %dma_start3A_29 = tpu.memref_squeeze %dma_start3A_28 : memref<1x4096xf32, #tpu.memory_space<hbm>> -> memref<4096xf32, #tpu.memory_space<hbm>>
    %dma_start3A_30 = arith.constant 4096 : i32
    %dma_start3A_31 = tpu.memref_slice %arg2[%add3A_6, %dma_start3A_30] : memref<64x16384xf32, #tpu.memory_space<hbm>> -> memref<1x4096xf32, #tpu.memory_space<hbm>>
    %dma_start3A_32 = tpu.memref_squeeze %dma_start3A_31 : memref<1x4096xf32, #tpu.memory_space<hbm>> -> memref<4096xf32, #tpu.memory_space<hbm>>
    tpu.enqueue_dma source(%dma_start3A_32 : memref<4096xf32, #tpu.memory_space<hbm>>) target(%arg9 : memref<4096xf32, #tpu.memory_space<vmem>>) target_semaphore(%arg16 : memref<!tpu.dma_semaphore, #tpu.memory_space<semaphore_mem>>)
    %dma_start3A_33 = arith.constant 4096 : i32
    %dma_start3A_34 = tpu.memref_slice %arg6[%dma_start3A_33] : memref<16384xi32, #tpu.memory_space<vmem_shared>> -> memref<4096xi32, #tpu.memory_space<vmem_shared>>
    %dma_start3A_35 = arith.constant 4096 : i32
    %dma_start3A_36 = tpu.memref_slice %arg6[%dma_start3A_35] : memref<16384xi32, #tpu.memory_space<vmem_shared>> -> memref<4096xi32, #tpu.memory_space<vmem_shared>>
    tpu.enqueue_dma source(%dma_start3A_36 : memref<4096xi32, #tpu.memory_space<vmem_shared>>) target(%arg13 : memref<4096xi32, #tpu.memory_space<vmem>>) target_semaphore(%arg20 : memref<!tpu.dma_semaphore, #tpu.memory_space<semaphore_mem>>)
    %dma_wait3A_37 = arith.constant 0 : i32
    %dma_wait3A_38 = tpu.memref_slice %arg2[%add3A_6, %dma_wait3A_37] : memref<64x16384xf32, #tpu.memory_space<hbm>> -> memref<1x4096xf32, #tpu.memory_space<hbm>>
    %dma_wait3A_39 = tpu.memref_squeeze %dma_wait3A_38 : memref<1x4096xf32, #tpu.memory_space<hbm>> -> memref<4096xf32, #tpu.memory_space<hbm>>
    %dma_wait3A_40 = arith.constant 0 : i32
    %dma_wait3A_41 = tpu.memref_slice %arg2[%add3A_6, %dma_wait3A_40] : memref<64x16384xf32, #tpu.memory_space<hbm>> -> memref<1x4096xf32, #tpu.memory_space<hbm>>
    %dma_wait3A_42 = tpu.memref_squeeze %dma_wait3A_41 : memref<1x4096xf32, #tpu.memory_space<hbm>> -> memref<4096xf32, #tpu.memory_space<hbm>>
    tpu.wait_dma2 semaphore(%arg15 : memref<!tpu.dma_semaphore, #tpu.memory_space<semaphore_mem>>) src(%dma_wait3A_42 : memref<4096xf32, #tpu.memory_space<hbm>>) dst(%arg8 : memref<4096xf32, #tpu.memory_space<vmem>>)
    %dma_wait3A_43 = arith.constant 0 : i32
    %dma_wait3A_44 = tpu.memref_slice %arg6[%dma_wait3A_43] : memref<16384xi32, #tpu.memory_space<vmem_shared>> -> memref<4096xi32, #tpu.memory_space<vmem_shared>>
    %dma_wait3A_45 = arith.constant 0 : i32
    %dma_wait3A_46 = tpu.memref_slice %arg6[%dma_wait3A_45] : memref<16384xi32, #tpu.memory_space<vmem_shared>> -> memref<4096xi32, #tpu.memory_space<vmem_shared>>
    tpu.wait_dma2 semaphore(%arg19 : memref<!tpu.dma_semaphore, #tpu.memory_space<semaphore_mem>>) src(%dma_wait3A_46 : memref<4096xi32, #tpu.memory_space<vmem_shared>>) dst(%arg12 : memref<4096xi32, #tpu.memory_space<vmem>>)
    %parallel_loop3A = arith.constant 0 : i32
    %parallel_loop3A_47 = arith.constant 4096 : i32
    %parallel_loop3A_48 = arith.constant 16 : i32
    scf.for %parallel_loop3A_312 = %parallel_loop3A to %parallel_loop3A_47 step %parallel_loop3A_48  : i32 {
      %parallel_loop3A_313 = arith.index_cast %parallel_loop3A_312 : i32 to index
      %parallel_loop3A_314 = tpu.vector_load %arg12[%parallel_loop3A_313] {strides = array<i32>} : memref<4096xi32, #tpu.memory_space<vmem>>, vector<16xi32>,
      %parallel_loop3A_315 = tpu.vector_load_idx %arg7[%parallel_loop3A_314] : memref<100000xf32, #tpu.memory_space<vmem>>[vector<16xi32>], vector<16xf32>,
      %parallel_loop3A_316 = arith.index_cast %parallel_loop3A_312 : i32 to index
      %parallel_loop3A_317 = tpu.vector_load %arg8[%parallel_loop3A_316] {strides = array<i32>} : memref<4096xf32, #tpu.memory_space<vmem>>, vector<16xf32>,
      %parallel_loop3A_318 = arith.addf %parallel_loop3A_315, %parallel_loop3A_317 : vector<16xf32>
      %parallel_loop3A_319 = arith.index_cast %parallel_loop3A_312 : i32 to index
      %parallel_loop3A_320 = tpu.vector_load %arg10[%parallel_loop3A_319] {strides = array<i32>} : memref<4096xf32, #tpu.memory_space<vmem>>, vector<16xf32>,
      tpu.vector_store %arg10[%parallel_loop3A_319], %parallel_loop3A_318 {strides = array<i32>} : memref<4096xf32, #tpu.memory_space<vmem>>, vector<16xf32>,
    } {sc.loop_unroll_factor = 4 : i64, sc.parallel_access}
    %dma_start3A_49 = arith.constant 0 : i32
    %dma_start3A_50 = tpu.memref_slice %arg5[%add3A_6, %dma_start3A_49] : memref<64x16384xf32, #tpu.memory_space<hbm>> -> memref<1x4096xf32, #tpu.memory_space<hbm>>
    %dma_start3A_51 = tpu.memref_squeeze %dma_start3A_50 : memref<1x4096xf32, #tpu.memory_space<hbm>> -> memref<4096xf32, #tpu.memory_space<hbm>>
    %dma_start3A_52 = arith.constant 0 : i32
    %dma_start3A_53 = tpu.memref_slice %arg5[%add3A_6, %dma_start3A_52] : memref<64x16384xf32, #tpu.memory_space<hbm>> -> memref<1x4096xf32, #tpu.memory_space<hbm>>
    %dma_start3A_54 = tpu.memref_squeeze %dma_start3A_53 : memref<1x4096xf32, #tpu.memory_space<hbm>> -> memref<4096xf32, #tpu.memory_space<hbm>>
    tpu.enqueue_dma source(%arg10 : memref<4096xf32, #tpu.memory_space<vmem>>) target(%dma_start3A_54 : memref<4096xf32, #tpu.memory_space<hbm>>) target_semaphore(%arg17 : memref<!tpu.dma_semaphore, #tpu.memory_space<semaphore_mem>>)
    %dma_start3A_55 = arith.constant 8192 : i32
    %dma_start3A_56 = tpu.memref_slice %arg2[%add3A_6, %dma_start3A_55] : memref<64x16384xf32, #tpu.memory_space<hbm>> -> memref<1x4096xf32, #tpu.memory_space<hbm>>
    %dma_start3A_57 = tpu.memref_squeeze %dma_start3A_56 : memref<1x4096xf32, #tpu.memory_space<hbm>> -> memref<4096xf32, #tpu.memory_space<hbm>>
    %dma_start3A_58 = arith.constant 8192 : i32
    %dma_start3A_59 = tpu.memref_slice %arg2[%add3A_6, %dma_start3A_58] : memref<64x16384xf32, #tpu.memory_space<hbm>> -> memref<1x4096xf32, #tpu.memory_space<hbm>>
    %dma_start3A_60 = tpu.memref_squeeze %dma_start3A_59 : memref<1x4096xf32, #tpu.memory_space<hbm>> -> memref<4096xf32, #tpu.memory_space<hbm>>
    tpu.enqueue_dma source(%dma_start3A_60 : memref<4096xf32, #tpu.memory_space<hbm>>) target(%arg8 : memref<4096xf32, #tpu.memory_space<vmem>>) target_semaphore(%arg15 : memref<!tpu.dma_semaphore, #tpu.memory_space<semaphore_mem>>)
    %dma_start3A_61 = arith.constant 8192 : i32
    %dma_start3A_62 = tpu.memref_slice %arg6[%dma_start3A_61] : memref<16384xi32, #tpu.memory_space<vmem_shared>> -> memref<4096xi32, #tpu.memory_space<vmem_shared>>
    %dma_start3A_63 = arith.constant 8192 : i32
    %dma_start3A_64 = tpu.memref_slice %arg6[%dma_start3A_63] : memref<16384xi32, #tpu.memory_space<vmem_shared>> -> memref<4096xi32, #tpu.memory_space<vmem_shared>>
    tpu.enqueue_dma source(%dma_start3A_64 : memref<4096xi32, #tpu.memory_space<vmem_shared>>) target(%arg12 : memref<4096xi32, #tpu.memory_space<vmem>>) target_semaphore(%arg19 : memref<!tpu.dma_semaphore, #tpu.memory_space<semaphore_mem>>)
    %dma_wait3A_65 = arith.constant 4096 : i32
    %dma_wait3A_66 = tpu.memref_slice %arg2[%add3A_6, %dma_wait3A_65] : memref<64x16384xf32, #tpu.memory_space<hbm>> -> memref<1x4096xf32, #tpu.memory_space<hbm>>
    %dma_wait3A_67 = tpu.memref_squeeze %dma_wait3A_66 : memref<1x4096xf32, #tpu.memory_space<hbm>> -> memref<4096xf32, #tpu.memory_space<hbm>>
    %dma_wait3A_68 = arith.constant 4096 : i32
    %dma_wait3A_69 = tpu.memref_slice %arg2[%add3A_6, %dma_wait3A_68] : memref<64x16384xf32, #tpu.memory_space<hbm>> -> memref<1x4096xf32, #tpu.memory_space<hbm>>
    %dma_wait3A_70 = tpu.memref_squeeze %dma_wait3A_69 : memref<1x4096xf32, #tpu.memory_space<hbm>> -> memref<4096xf32, #tpu.memory_space<hbm>>
    tpu.wait_dma2 semaphore(%arg16 : memref<!tpu.dma_semaphore, #tpu.memory_space<semaphore_mem>>) src(%dma_wait3A_70 : memref<4096xf32, #tpu.memory_space<hbm>>) dst(%arg9 : memref<4096xf32, #tpu.memory_space<vmem>>)
    %dma_wait3A_71 = arith.constant 4096 : i32
    %dma_wait3A_72 = tpu.memref_slice %arg6[%dma_wait3A_71] : memref<16384xi32, #tpu.memory_space<vmem_shared>> -> memref<4096xi32, #tpu.memory_space<vmem_shared>>
    %dma_wait3A_73 = arith.constant 4096 : i32
    %dma_wait3A_74 = tpu.memref_slice %arg6[%dma_wait3A_73] : memref<16384xi32, #tpu.memory_space<vmem_shared>> -> memref<4096xi32, #tpu.memory_space<vmem_shared>>
    tpu.wait_dma2 semaphore(%arg20 : memref<!tpu.dma_semaphore, #tpu.memory_space<semaphore_mem>>) src(%dma_wait3A_74 : memref<4096xi32, #tpu.memory_space<vmem_shared>>) dst(%arg13 : memref<4096xi32, #tpu.memory_space<vmem>>)
    %parallel_loop3A_75 = arith.constant 0 : i32
    %parallel_loop3A_76 = arith.constant 4096 : i32
    %parallel_loop3A_77 = arith.constant 16 : i32
    scf.for %parallel_loop3A_312 = %parallel_loop3A_75 to %parallel_loop3A_76 step %parallel_loop3A_77  : i32 {
      %parallel_loop3A_313 = arith.index_cast %parallel_loop3A_312 : i32 to index
      %parallel_loop3A_314 = tpu.vector_load %arg13[%parallel_loop3A_313] {strides = array<i32>} : memref<4096xi32, #tpu.memory_space<vmem>>, vector<16xi32>,
      %parallel_loop3A_315 = tpu.vector_load_idx %arg7[%parallel_loop3A_314] : memref<100000xf32, #tpu.memory_space<vmem>>[vector<16xi32>], vector<16xf32>,
      %parallel_loop3A_316 = arith.index_cast %parallel_loop3A_312 : i32 to index
      %parallel_loop3A_317 = tpu.vector_load %arg9[%parallel_loop3A_316] {strides = array<i32>} : memref<4096xf32, #tpu.memory_space<vmem>>, vector<16xf32>,
      %parallel_loop3A_318 = arith.addf %parallel_loop3A_315, %parallel_loop3A_317 : vector<16xf32>
      %parallel_loop3A_319 = arith.index_cast %parallel_loop3A_312 : i32 to index
      %parallel_loop3A_320 = tpu.vector_load %arg11[%parallel_loop3A_319] {strides = array<i32>} : memref<4096xf32, #tpu.memory_space<vmem>>, vector<16xf32>,
      tpu.vector_store %arg11[%parallel_loop3A_319], %parallel_loop3A_318 {strides = array<i32>} : memref<4096xf32, #tpu.memory_space<vmem>>, vector<16xf32>,
    } {sc.loop_unroll_factor = 4 : i64, sc.parallel_access}
    %dma_start3A_78 = arith.constant 4096 : i32
    %dma_start3A_79 = tpu.memref_slice %arg5[%add3A_6, %dma_start3A_78] : memref<64x16384xf32, #tpu.memory_space<hbm>> -> memref<1x4096xf32, #tpu.memory_space<hbm>>
    %dma_start3A_80 = tpu.memref_squeeze %dma_start3A_79 : memref<1x4096xf32, #tpu.memory_space<hbm>> -> memref<4096xf32, #tpu.memory_space<hbm>>
    %dma_start3A_81 = arith.constant 4096 : i32
    %dma_start3A_82 = tpu.memref_slice %arg5[%add3A_6, %dma_start3A_81] : memref<64x16384xf32, #tpu.memory_space<hbm>> -> memref<1x4096xf32, #tpu.memory_space<hbm>>
    %dma_start3A_83 = tpu.memref_squeeze %dma_start3A_82 : memref<1x4096xf32, #tpu.memory_space<hbm>> -> memref<4096xf32, #tpu.memory_space<hbm>>
    tpu.enqueue_dma source(%arg11 : memref<4096xf32, #tpu.memory_space<vmem>>) target(%dma_start3A_83 : memref<4096xf32, #tpu.memory_space<hbm>>) target_semaphore(%arg18 : memref<!tpu.dma_semaphore, #tpu.memory_space<semaphore_mem>>)
    %dma_start3A_84 = arith.constant 12288 : i32
    %dma_start3A_85 = tpu.memref_slice %arg2[%add3A_6, %dma_start3A_84] : memref<64x16384xf32, #tpu.memory_space<hbm>> -> memref<1x4096xf32, #tpu.memory_space<hbm>>
    %dma_start3A_86 = tpu.memref_squeeze %dma_start3A_85 : memref<1x4096xf32, #tpu.memory_space<hbm>> -> memref<4096xf32, #tpu.memory_space<hbm>>
    %dma_start3A_87 = arith.constant 12288 : i32
    %dma_start3A_88 = tpu.memref_slice %arg2[%add3A_6, %dma_start3A_87] : memref<64x16384xf32, #tpu.memory_space<hbm>> -> memref<1x4096xf32, #tpu.memory_space<hbm>>
    %dma_start3A_89 = tpu.memref_squeeze %dma_start3A_88 : memref<1x4096xf32, #tpu.memory_space<hbm>> -> memref<4096xf32, #tpu.memory_space<hbm>>
    tpu.enqueue_dma source(%dma_start3A_89 : memref<4096xf32, #tpu.memory_space<hbm>>) target(%arg9 : memref<4096xf32, #tpu.memory_space<vmem>>) target_semaphore(%arg16 : memref<!tpu.dma_semaphore, #tpu.memory_space<semaphore_mem>>)
    %dma_start3A_90 = arith.constant 12288 : i32
    %dma_start3A_91 = tpu.memref_slice %arg6[%dma_start3A_90] : memref<16384xi32, #tpu.memory_space<vmem_shared>> -> memref<4096xi32, #tpu.memory_space<vmem_shared>>
    %dma_start3A_92 = arith.constant 12288 : i32
    %dma_start3A_93 = tpu.memref_slice %arg6[%dma_start3A_92] : memref<16384xi32, #tpu.memory_space<vmem_shared>> -> memref<4096xi32, #tpu.memory_space<vmem_shared>>
    tpu.enqueue_dma source(%dma_start3A_93 : memref<4096xi32, #tpu.memory_space<vmem_shared>>) target(%arg13 : memref<4096xi32, #tpu.memory_space<vmem>>) target_semaphore(%arg20 : memref<!tpu.dma_semaphore, #tpu.memory_space<semaphore_mem>>)
    %dma_wait3A_94 = arith.constant 8192 : i32
    %dma_wait3A_95 = tpu.memref_slice %arg2[%add3A_6, %dma_wait3A_94] : memref<64x16384xf32, #tpu.memory_space<hbm>> -> memref<1x4096xf32, #tpu.memory_space<hbm>>
    %dma_wait3A_96 = tpu.memref_squeeze %dma_wait3A_95 : memref<1x4096xf32, #tpu.memory_space<hbm>> -> memref<4096xf32, #tpu.memory_space<hbm>>
    %dma_wait3A_97 = arith.constant 8192 : i32
    %dma_wait3A_98 = tpu.memref_slice %arg2[%add3A_6, %dma_wait3A_97] : memref<64x16384xf32, #tpu.memory_space<hbm>> -> memref<1x4096xf32, #tpu.memory_space<hbm>>
    %dma_wait3A_99 = tpu.memref_squeeze %dma_wait3A_98 : memref<1x4096xf32, #tpu.memory_space<hbm>> -> memref<4096xf32, #tpu.memory_space<hbm>>
    tpu.wait_dma2 semaphore(%arg15 : memref<!tpu.dma_semaphore, #tpu.memory_space<semaphore_mem>>) src(%dma_wait3A_99 : memref<4096xf32, #tpu.memory_space<hbm>>) dst(%arg8 : memref<4096xf32, #tpu.memory_space<vmem>>)
    %dma_wait3A_100 = arith.constant 8192 : i32
    %dma_wait3A_101 = tpu.memref_slice %arg6[%dma_wait3A_100] : memref<16384xi32, #tpu.memory_space<vmem_shared>> -> memref<4096xi32, #tpu.memory_space<vmem_shared>>
    %dma_wait3A_102 = arith.constant 8192 : i32
    %dma_wait3A_103 = tpu.memref_slice %arg6[%dma_wait3A_102] : memref<16384xi32, #tpu.memory_space<vmem_shared>> -> memref<4096xi32, #tpu.memory_space<vmem_shared>>
    tpu.wait_dma2 semaphore(%arg19 : memref<!tpu.dma_semaphore, #tpu.memory_space<semaphore_mem>>) src(%dma_wait3A_103 : memref<4096xi32, #tpu.memory_space<vmem_shared>>) dst(%arg12 : memref<4096xi32, #tpu.memory_space<vmem>>)
    %dma_wait3A_104 = arith.constant 0 : i32
    %dma_wait3A_105 = tpu.memref_slice %arg5[%add3A_6, %dma_wait3A_104] : memref<64x16384xf32, #tpu.memory_space<hbm>> -> memref<1x4096xf32, #tpu.memory_space<hbm>>
    %dma_wait3A_106 = tpu.memref_squeeze %dma_wait3A_105 : memref<1x4096xf32, #tpu.memory_space<hbm>> -> memref<4096xf32, #tpu.memory_space<hbm>>
    %dma_wait3A_107 = arith.constant 0 : i32
    %dma_wait3A_108 = tpu.memref_slice %arg5[%add3A_6, %dma_wait3A_107] : memref<64x16384xf32, #tpu.memory_space<hbm>> -> memref<1x4096xf32, #tpu.memory_space<hbm>>
    %dma_wait3A_109 = tpu.memref_squeeze %dma_wait3A_108 : memref<1x4096xf32, #tpu.memory_space<hbm>> -> memref<4096xf32, #tpu.memory_space<hbm>>
    tpu.wait_dma2 semaphore(%arg17 : memref<!tpu.dma_semaphore, #tpu.memory_space<semaphore_mem>>) src(%arg10 : memref<4096xf32, #tpu.memory_space<vmem>>) dst(%dma_wait3A_109 : memref<4096xf32, #tpu.memory_space<hbm>>)
    %parallel_loop3A_110 = arith.constant 0 : i32
    %parallel_loop3A_111 = arith.constant 4096 : i32
    %parallel_loop3A_112 = arith.constant 16 : i32
    scf.for %parallel_loop3A_312 = %parallel_loop3A_110 to %parallel_loop3A_111 step %parallel_loop3A_112  : i32 {
      %parallel_loop3A_313 = arith.index_cast %parallel_loop3A_312 : i32 to index
      %parallel_loop3A_314 = tpu.vector_load %arg12[%parallel_loop3A_313] {strides = array<i32>} : memref<4096xi32, #tpu.memory_space<vmem>>, vector<16xi32>,
      %parallel_loop3A_315 = tpu.vector_load_idx %arg7[%parallel_loop3A_314] : memref<100000xf32, #tpu.memory_space<vmem>>[vector<16xi32>], vector<16xf32>,
      %parallel_loop3A_316 = arith.index_cast %parallel_loop3A_312 : i32 to index
      %parallel_loop3A_317 = tpu.vector_load %arg8[%parallel_loop3A_316] {strides = array<i32>} : memref<4096xf32, #tpu.memory_space<vmem>>, vector<16xf32>,
      %parallel_loop3A_318 = arith.addf %parallel_loop3A_315, %parallel_loop3A_317 : vector<16xf32>
      %parallel_loop3A_319 = arith.index_cast %parallel_loop3A_312 : i32 to index
      %parallel_loop3A_320 = tpu.vector_load %arg10[%parallel_loop3A_319] {strides = array<i32>} : memref<4096xf32, #tpu.memory_space<vmem>>, vector<16xf32>,
      tpu.vector_store %arg10[%parallel_loop3A_319], %parallel_loop3A_318 {strides = array<i32>} : memref<4096xf32, #tpu.memory_space<vmem>>, vector<16xf32>,
    } {sc.loop_unroll_factor = 4 : i64, sc.parallel_access}
    %dma_start3A_113 = arith.constant 8192 : i32
    %dma_start3A_114 = tpu.memref_slice %arg5[%add3A_6, %dma_start3A_113] : memref<64x16384xf32, #tpu.memory_space<hbm>> -> memref<1x4096xf32, #tpu.memory_space<hbm>>
    %dma_start3A_115 = tpu.memref_squeeze %dma_start3A_114 : memref<1x4096xf32, #tpu.memory_space<hbm>> -> memref<4096xf32, #tpu.memory_space<hbm>>
    %dma_start3A_116 = arith.constant 8192 : i32
    %dma_start3A_117 = tpu.memref_slice %arg5[%add3A_6, %dma_start3A_116] : memref<64x16384xf32, #tpu.memory_space<hbm>> -> memref<1x4096xf32, #tpu.memory_space<hbm>>
    %dma_start3A_118 = tpu.memref_squeeze %dma_start3A_117 : memref<1x4096xf32, #tpu.memory_space<hbm>> -> memref<4096xf32, #tpu.memory_space<hbm>>
    tpu.enqueue_dma source(%arg10 : memref<4096xf32, #tpu.memory_space<vmem>>) target(%dma_start3A_118 : memref<4096xf32, #tpu.memory_space<hbm>>) target_semaphore(%arg17 : memref<!tpu.dma_semaphore, #tpu.memory_space<semaphore_mem>>)
    %dma_wait3A_119 = arith.constant 12288 : i32
    %dma_wait3A_120 = tpu.memref_slice %arg2[%add3A_6, %dma_wait3A_119] : memref<64x16384xf32, #tpu.memory_space<hbm>> -> memref<1x4096xf32, #tpu.memory_space<hbm>>
    %dma_wait3A_121 = tpu.memref_squeeze %dma_wait3A_120 : memref<1x4096xf32, #tpu.memory_space<hbm>> -> memref<4096xf32, #tpu.memory_space<hbm>>
    %dma_wait3A_122 = arith.constant 12288 : i32
    %dma_wait3A_123 = tpu.memref_slice %arg2[%add3A_6, %dma_wait3A_122] : memref<64x16384xf32, #tpu.memory_space<hbm>> -> memref<1x4096xf32, #tpu.memory_space<hbm>>
    %dma_wait3A_124 = tpu.memref_squeeze %dma_wait3A_123 : memref<1x4096xf32, #tpu.memory_space<hbm>> -> memref<4096xf32, #tpu.memory_space<hbm>>
    tpu.wait_dma2 semaphore(%arg16 : memref<!tpu.dma_semaphore, #tpu.memory_space<semaphore_mem>>) src(%dma_wait3A_124 : memref<4096xf32, #tpu.memory_space<hbm>>) dst(%arg9 : memref<4096xf32, #tpu.memory_space<vmem>>)
    %dma_wait3A_125 = arith.constant 12288 : i32
    %dma_wait3A_126 = tpu.memref_slice %arg6[%dma_wait3A_125] : memref<16384xi32, #tpu.memory_space<vmem_shared>> -> memref<4096xi32, #tpu.memory_space<vmem_shared>>
    %dma_wait3A_127 = arith.constant 12288 : i32
    %dma_wait3A_128 = tpu.memref_slice %arg6[%dma_wait3A_127] : memref<16384xi32, #tpu.memory_space<vmem_shared>> -> memref<4096xi32, #tpu.memory_space<vmem_shared>>
    tpu.wait_dma2 semaphore(%arg20 : memref<!tpu.dma_semaphore, #tpu.memory_space<semaphore_mem>>) src(%dma_wait3A_128 : memref<4096xi32, #tpu.memory_space<vmem_shared>>) dst(%arg13 : memref<4096xi32, #tpu.memory_space<vmem>>)
    %dma_wait3A_129 = arith.constant 4096 : i32
    %dma_wait3A_130 = tpu.memref_slice %arg5[%add3A_6, %dma_wait3A_129] : memref<64x16384xf32, #tpu.memory_space<hbm>> -> memref<1x4096xf32, #tpu.memory_space<hbm>>
    %dma_wait3A_131 = tpu.memref_squeeze %dma_wait3A_130 : memref<1x4096xf32, #tpu.memory_space<hbm>> -> memref<4096xf32, #tpu.memory_space<hbm>>
    %dma_wait3A_132 = arith.constant 4096 : i32
    %dma_wait3A_133 = tpu.memref_slice %arg5[%add3A_6, %dma_wait3A_132] : memref<64x16384xf32, #tpu.memory_space<hbm>> -> memref<1x4096xf32, #tpu.memory_space<hbm>>
    %dma_wait3A_134 = tpu.memref_squeeze %dma_wait3A_133 : memref<1x4096xf32, #tpu.memory_space<hbm>> -> memref<4096xf32, #tpu.memory_space<hbm>>
    tpu.wait_dma2 semaphore(%arg18 : memref<!tpu.dma_semaphore, #tpu.memory_space<semaphore_mem>>) src(%arg11 : memref<4096xf32, #tpu.memory_space<vmem>>) dst(%dma_wait3A_134 : memref<4096xf32, #tpu.memory_space<hbm>>)
    %parallel_loop3A_135 = arith.constant 0 : i32
    %parallel_loop3A_136 = arith.constant 4096 : i32
    %parallel_loop3A_137 = arith.constant 16 : i32
    scf.for %parallel_loop3A_312 = %parallel_loop3A_135 to %parallel_loop3A_136 step %parallel_loop3A_137  : i32 {
      %parallel_loop3A_313 = arith.index_cast %parallel_loop3A_312 : i32 to index
      %parallel_loop3A_314 = tpu.vector_load %arg13[%parallel_loop3A_313] {strides = array<i32>} : memref<4096xi32, #tpu.memory_space<vmem>>, vector<16xi32>,
      %parallel_loop3A_315 = tpu.vector_load_idx %arg7[%parallel_loop3A_314] : memref<100000xf32, #tpu.memory_space<vmem>>[vector<16xi32>], vector<16xf32>,
      %parallel_loop3A_316 = arith.index_cast %parallel_loop3A_312 : i32 to index
      %parallel_loop3A_317 = tpu.vector_load %arg9[%parallel_loop3A_316] {strides = array<i32>} : memref<4096xf32, #tpu.memory_space<vmem>>, vector<16xf32>,
      %parallel_loop3A_318 = arith.addf %parallel_loop3A_315, %parallel_loop3A_317 : vector<16xf32>
      %parallel_loop3A_319 = arith.index_cast %parallel_loop3A_312 : i32 to index
      %parallel_loop3A_320 = tpu.vector_load %arg11[%parallel_loop3A_319] {strides = array<i32>} : memref<4096xf32, #tpu.memory_space<vmem>>, vector<16xf32>,
      tpu.vector_store %arg11[%parallel_loop3A_319], %parallel_loop3A_318 {strides = array<i32>} : memref<4096xf32, #tpu.memory_space<vmem>>, vector<16xf32>,
    } {sc.loop_unroll_factor = 4 : i64, sc.parallel_access}
    %dma_start3A_138 = arith.constant 12288 : i32
    %dma_start3A_139 = tpu.memref_slice %arg5[%add3A_6, %dma_start3A_138] : memref<64x16384xf32, #tpu.memory_space<hbm>> -> memref<1x4096xf32, #tpu.memory_space<hbm>>
    %dma_start3A_140 = tpu.memref_squeeze %dma_start3A_139 : memref<1x4096xf32, #tpu.memory_space<hbm>> -> memref<4096xf32, #tpu.memory_space<hbm>>
    %dma_start3A_141 = arith.constant 12288 : i32
    %dma_start3A_142 = tpu.memref_slice %arg5[%add3A_6, %dma_start3A_141] : memref<64x16384xf32, #tpu.memory_space<hbm>> -> memref<1x4096xf32, #tpu.memory_space<hbm>>
    %dma_start3A_143 = tpu.memref_squeeze %dma_start3A_142 : memref<1x4096xf32, #tpu.memory_space<hbm>> -> memref<4096xf32, #tpu.memory_space<hbm>>
    tpu.enqueue_dma source(%arg11 : memref<4096xf32, #tpu.memory_space<vmem>>) target(%dma_start3A_143 : memref<4096xf32, #tpu.memory_space<hbm>>) target_semaphore(%arg18 : memref<!tpu.dma_semaphore, #tpu.memory_space<semaphore_mem>>)
    %mul3A_144 = arith.constant 2 : i32
    %mul3A_145 = arith.muli %add3A, %mul3A_144 : i32
    %add3A_146 = arith.constant 1 : i32
    %add3A_147 = arith.addi %mul3A_145, %add3A_146 : i32
    %dma_start3A_148 = arith.constant 0 : i32
    %dma_start3A_149 = tpu.memref_slice %arg4[%add3A_147, %dma_start3A_148] : memref<64x100000xf32, #tpu.memory_space<hbm>> -> memref<1x100000xf32, #tpu.memory_space<hbm>>
    %dma_start3A_150 = tpu.memref_squeeze %dma_start3A_149 : memref<1x100000xf32, #tpu.memory_space<hbm>> -> memref<100000xf32, #tpu.memory_space<hbm>>
    %dma_start3A_151 = arith.constant 0 : i32
    %dma_start3A_152 = tpu.memref_slice %arg4[%add3A_147, %dma_start3A_151] : memref<64x100000xf32, #tpu.memory_space<hbm>> -> memref<1x100000xf32, #tpu.memory_space<hbm>>
    %dma_start3A_153 = tpu.memref_squeeze %dma_start3A_152 : memref<1x100000xf32, #tpu.memory_space<hbm>> -> memref<100000xf32, #tpu.memory_space<hbm>>
    tpu.enqueue_dma source(%dma_start3A_153 : memref<100000xf32, #tpu.memory_space<hbm>>) target(%arg7 : memref<100000xf32, #tpu.memory_space<vmem>>) target_semaphore(%arg14 : memref<!tpu.dma_semaphore, #tpu.memory_space<semaphore_mem>>)
    %dma_start3A_154 = arith.constant 0 : i32
    %dma_start3A_155 = tpu.memref_slice %arg2[%add3A_147, %dma_start3A_154] : memref<64x16384xf32, #tpu.memory_space<hbm>> -> memref<1x4096xf32, #tpu.memory_space<hbm>>
    %dma_start3A_156 = tpu.memref_squeeze %dma_start3A_155 : memref<1x4096xf32, #tpu.memory_space<hbm>> -> memref<4096xf32, #tpu.memory_space<hbm>>
    %dma_start3A_157 = arith.constant 0 : i32
    %dma_start3A_158 = tpu.memref_slice %arg2[%add3A_147, %dma_start3A_157] : memref<64x16384xf32, #tpu.memory_space<hbm>> -> memref<1x4096xf32, #tpu.memory_space<hbm>>
    %dma_start3A_159 = tpu.memref_squeeze %dma_start3A_158 : memref<1x4096xf32, #tpu.memory_space<hbm>> -> memref<4096xf32, #tpu.memory_space<hbm>>
    tpu.enqueue_dma source(%dma_start3A_159 : memref<4096xf32, #tpu.memory_space<hbm>>) target(%arg8 : memref<4096xf32, #tpu.memory_space<vmem>>) target_semaphore(%arg15 : memref<!tpu.dma_semaphore, #tpu.memory_space<semaphore_mem>>)
    %dma_start3A_160 = arith.constant 0 : i32
    %dma_start3A_161 = tpu.memref_slice %arg6[%dma_start3A_160] : memref<16384xi32, #tpu.memory_space<vmem_shared>> -> memref<4096xi32, #tpu.memory_space<vmem_shared>>
    %dma_start3A_162 = arith.constant 0 : i32
    %dma_start3A_163 = tpu.memref_slice %arg6[%dma_start3A_162] : memref<16384xi32, #tpu.memory_space<vmem_shared>> -> memref<4096xi32, #tpu.memory_space<vmem_shared>>
    tpu.enqueue_dma source(%dma_start3A_163 : memref<4096xi32, #tpu.memory_space<vmem_shared>>) target(%arg12 : memref<4096xi32, #tpu.memory_space<vmem>>) target_semaphore(%arg19 : memref<!tpu.dma_semaphore, #tpu.memory_space<semaphore_mem>>)
    %dma_wait3A_164 = arith.constant 0 : i32
    %dma_wait3A_165 = tpu.memref_slice %arg4[%add3A_147, %dma_wait3A_164] : memref<64x100000xf32, #tpu.memory_space<hbm>> -> memref<1x100000xf32, #tpu.memory_space<hbm>>
    %dma_wait3A_166 = tpu.memref_squeeze %dma_wait3A_165 : memref<1x100000xf32, #tpu.memory_space<hbm>> -> memref<100000xf32, #tpu.memory_space<hbm>>
    %dma_wait3A_167 = arith.constant 0 : i32
    %dma_wait3A_168 = tpu.memref_slice %arg4[%add3A_147, %dma_wait3A_167] : memref<64x100000xf32, #tpu.memory_space<hbm>> -> memref<1x100000xf32, #tpu.memory_space<hbm>>
    %dma_wait3A_169 = tpu.memref_squeeze %dma_wait3A_168 : memref<1x100000xf32, #tpu.memory_space<hbm>> -> memref<100000xf32, #tpu.memory_space<hbm>>
    tpu.wait_dma2 semaphore(%arg14 : memref<!tpu.dma_semaphore, #tpu.memory_space<semaphore_mem>>) src(%dma_wait3A_169 : memref<100000xf32, #tpu.memory_space<hbm>>) dst(%arg7 : memref<100000xf32, #tpu.memory_space<vmem>>)
    %dma_start3A_170 = arith.constant 4096 : i32
    %dma_start3A_171 = tpu.memref_slice %arg2[%add3A_147, %dma_start3A_170] : memref<64x16384xf32, #tpu.memory_space<hbm>> -> memref<1x4096xf32, #tpu.memory_space<hbm>>
    %dma_start3A_172 = tpu.memref_squeeze %dma_start3A_171 : memref<1x4096xf32, #tpu.memory_space<hbm>> -> memref<4096xf32, #tpu.memory_space<hbm>>
    %dma_start3A_173 = arith.constant 4096 : i32
    %dma_start3A_174 = tpu.memref_slice %arg2[%add3A_147, %dma_start3A_173] : memref<64x16384xf32, #tpu.memory_space<hbm>> -> memref<1x4096xf32, #tpu.memory_space<hbm>>
    %dma_start3A_175 = tpu.memref_squeeze %dma_start3A_174 : memref<1x4096xf32, #tpu.memory_space<hbm>> -> memref<4096xf32, #tpu.memory_space<hbm>>
    tpu.enqueue_dma source(%dma_start3A_175 : memref<4096xf32, #tpu.memory_space<hbm>>) target(%arg9 : memref<4096xf32, #tpu.memory_space<vmem>>) target_semaphore(%arg16 : memref<!tpu.dma_semaphore, #tpu.memory_space<semaphore_mem>>)
    %dma_start3A_176 = arith.constant 4096 : i32
    %dma_start3A_177 = tpu.memref_slice %arg6[%dma_start3A_176] : memref<16384xi32, #tpu.memory_space<vmem_shared>> -> memref<4096xi32, #tpu.memory_space<vmem_shared>>
    %dma_start3A_178 = arith.constant 4096 : i32
    %dma_start3A_179 = tpu.memref_slice %arg6[%dma_start3A_178] : memref<16384xi32, #tpu.memory_space<vmem_shared>> -> memref<4096xi32, #tpu.memory_space<vmem_shared>>
    tpu.enqueue_dma source(%dma_start3A_179 : memref<4096xi32, #tpu.memory_space<vmem_shared>>) target(%arg13 : memref<4096xi32, #tpu.memory_space<vmem>>) target_semaphore(%arg20 : memref<!tpu.dma_semaphore, #tpu.memory_space<semaphore_mem>>)
    %dma_wait3A_180 = arith.constant 0 : i32
    %dma_wait3A_181 = tpu.memref_slice %arg2[%add3A_147, %dma_wait3A_180] : memref<64x16384xf32, #tpu.memory_space<hbm>> -> memref<1x4096xf32, #tpu.memory_space<hbm>>
    %dma_wait3A_182 = tpu.memref_squeeze %dma_wait3A_181 : memref<1x4096xf32, #tpu.memory_space<hbm>> -> memref<4096xf32, #tpu.memory_space<hbm>>
    %dma_wait3A_183 = arith.constant 0 : i32
    %dma_wait3A_184 = tpu.memref_slice %arg2[%add3A_147, %dma_wait3A_183] : memref<64x16384xf32, #tpu.memory_space<hbm>> -> memref<1x4096xf32, #tpu.memory_space<hbm>>
    %dma_wait3A_185 = tpu.memref_squeeze %dma_wait3A_184 : memref<1x4096xf32, #tpu.memory_space<hbm>> -> memref<4096xf32, #tpu.memory_space<hbm>>
    tpu.wait_dma2 semaphore(%arg15 : memref<!tpu.dma_semaphore, #tpu.memory_space<semaphore_mem>>) src(%dma_wait3A_185 : memref<4096xf32, #tpu.memory_space<hbm>>) dst(%arg8 : memref<4096xf32, #tpu.memory_space<vmem>>)
    %dma_wait3A_186 = arith.constant 0 : i32
    %dma_wait3A_187 = tpu.memref_slice %arg6[%dma_wait3A_186] : memref<16384xi32, #tpu.memory_space<vmem_shared>> -> memref<4096xi32, #tpu.memory_space<vmem_shared>>
    %dma_wait3A_188 = arith.constant 0 : i32
    %dma_wait3A_189 = tpu.memref_slice %arg6[%dma_wait3A_188] : memref<16384xi32, #tpu.memory_space<vmem_shared>> -> memref<4096xi32, #tpu.memory_space<vmem_shared>>
    tpu.wait_dma2 semaphore(%arg19 : memref<!tpu.dma_semaphore, #tpu.memory_space<semaphore_mem>>) src(%dma_wait3A_189 : memref<4096xi32, #tpu.memory_space<vmem_shared>>) dst(%arg12 : memref<4096xi32, #tpu.memory_space<vmem>>)
    %dma_wait3A_190 = arith.constant 8192 : i32
    %dma_wait3A_191 = tpu.memref_slice %arg5[%add3A_6, %dma_wait3A_190] : memref<64x16384xf32, #tpu.memory_space<hbm>> -> memref<1x4096xf32, #tpu.memory_space<hbm>>
    %dma_wait3A_192 = tpu.memref_squeeze %dma_wait3A_191 : memref<1x4096xf32, #tpu.memory_space<hbm>> -> memref<4096xf32, #tpu.memory_space<hbm>>
    %dma_wait3A_193 = arith.constant 8192 : i32
    %dma_wait3A_194 = tpu.memref_slice %arg5[%add3A_6, %dma_wait3A_193] : memref<64x16384xf32, #tpu.memory_space<hbm>> -> memref<1x4096xf32, #tpu.memory_space<hbm>>
    %dma_wait3A_195 = tpu.memref_squeeze %dma_wait3A_194 : memref<1x4096xf32, #tpu.memory_space<hbm>> -> memref<4096xf32, #tpu.memory_space<hbm>>
    tpu.wait_dma2 semaphore(%arg17 : memref<!tpu.dma_semaphore, #tpu.memory_space<semaphore_mem>>) src(%arg10 : memref<4096xf32, #tpu.memory_space<vmem>>) dst(%dma_wait3A_195 : memref<4096xf32, #tpu.memory_space<hbm>>)
    %parallel_loop3A_196 = arith.constant 0 : i32
    %parallel_loop3A_197 = arith.constant 4096 : i32
    %parallel_loop3A_198 = arith.constant 16 : i32
    scf.for %parallel_loop3A_312 = %parallel_loop3A_196 to %parallel_loop3A_197 step %parallel_loop3A_198  : i32 {
      %parallel_loop3A_313 = arith.index_cast %parallel_loop3A_312 : i32 to index
      %parallel_loop3A_314 = tpu.vector_load %arg12[%parallel_loop3A_313] {strides = array<i32>} : memref<4096xi32, #tpu.memory_space<vmem>>, vector<16xi32>,
      %parallel_loop3A_315 = tpu.vector_load_idx %arg7[%parallel_loop3A_314] : memref<100000xf32, #tpu.memory_space<vmem>>[vector<16xi32>], vector<16xf32>,
      %parallel_loop3A_316 = arith.index_cast %parallel_loop3A_312 : i32 to index
      %parallel_loop3A_317 = tpu.vector_load %arg8[%parallel_loop3A_316] {strides = array<i32>} : memref<4096xf32, #tpu.memory_space<vmem>>, vector<16xf32>,
      %parallel_loop3A_318 = arith.addf %parallel_loop3A_315, %parallel_loop3A_317 : vector<16xf32>
      %parallel_loop3A_319 = arith.index_cast %parallel_loop3A_312 : i32 to index
      %parallel_loop3A_320 = tpu.vector_load %arg10[%parallel_loop3A_319] {strides = array<i32>} : memref<4096xf32, #tpu.memory_space<vmem>>, vector<16xf32>,
      tpu.vector_store %arg10[%parallel_loop3A_319], %parallel_loop3A_318 {strides = array<i32>} : memref<4096xf32, #tpu.memory_space<vmem>>, vector<16xf32>,
    } {sc.loop_unroll_factor = 4 : i64, sc.parallel_access}
    %dma_start3A_199 = arith.constant 0 : i32
    %dma_start3A_200 = tpu.memref_slice %arg5[%add3A_147, %dma_start3A_199] : memref<64x16384xf32, #tpu.memory_space<hbm>> -> memref<1x4096xf32, #tpu.memory_space<hbm>>
    %dma_start3A_201 = tpu.memref_squeeze %dma_start3A_200 : memref<1x4096xf32, #tpu.memory_space<hbm>> -> memref<4096xf32, #tpu.memory_space<hbm>>
    %dma_start3A_202 = arith.constant 0 : i32
    %dma_start3A_203 = tpu.memref_slice %arg5[%add3A_147, %dma_start3A_202] : memref<64x16384xf32, #tpu.memory_space<hbm>> -> memref<1x4096xf32, #tpu.memory_space<hbm>>
    %dma_start3A_204 = tpu.memref_squeeze %dma_start3A_203 : memref<1x4096xf32, #tpu.memory_space<hbm>> -> memref<4096xf32, #tpu.memory_space<hbm>>
    tpu.enqueue_dma source(%arg10 : memref<4096xf32, #tpu.memory_space<vmem>>) target(%dma_start3A_204 : memref<4096xf32, #tpu.memory_space<hbm>>) target_semaphore(%arg17 : memref<!tpu.dma_semaphore, #tpu.memory_space<semaphore_mem>>)
    %dma_start3A_205 = arith.constant 8192 : i32
    %dma_start3A_206 = tpu.memref_slice %arg2[%add3A_147, %dma_start3A_205] : memref<64x16384xf32, #tpu.memory_space<hbm>> -> memref<1x4096xf32, #tpu.memory_space<hbm>>
    %dma_start3A_207 = tpu.memref_squeeze %dma_start3A_206 : memref<1x4096xf32, #tpu.memory_space<hbm>> -> memref<4096xf32, #tpu.memory_space<hbm>>
    %dma_start3A_208 = arith.constant 8192 : i32
    %dma_start3A_209 = tpu.memref_slice %arg2[%add3A_147, %dma_start3A_208] : memref<64x16384xf32, #tpu.memory_space<hbm>> -> memref<1x4096xf32, #tpu.memory_space<hbm>>
    %dma_start3A_210 = tpu.memref_squeeze %dma_start3A_209 : memref<1x4096xf32, #tpu.memory_space<hbm>> -> memref<4096xf32, #tpu.memory_space<hbm>>
    tpu.enqueue_dma source(%dma_start3A_210 : memref<4096xf32, #tpu.memory_space<hbm>>) target(%arg8 : memref<4096xf32, #tpu.memory_space<vmem>>) target_semaphore(%arg15 : memref<!tpu.dma_semaphore, #tpu.memory_space<semaphore_mem>>)
    %dma_start3A_211 = arith.constant 8192 : i32
    %dma_start3A_212 = tpu.memref_slice %arg6[%dma_start3A_211] : memref<16384xi32, #tpu.memory_space<vmem_shared>> -> memref<4096xi32, #tpu.memory_space<vmem_shared>>
    %dma_start3A_213 = arith.constant 8192 : i32
    %dma_start3A_214 = tpu.memref_slice %arg6[%dma_start3A_213] : memref<16384xi32, #tpu.memory_space<vmem_shared>> -> memref<4096xi32, #tpu.memory_space<vmem_shared>>
    tpu.enqueue_dma source(%dma_start3A_214 : memref<4096xi32, #tpu.memory_space<vmem_shared>>) target(%arg12 : memref<4096xi32, #tpu.memory_space<vmem>>) target_semaphore(%arg19 : memref<!tpu.dma_semaphore, #tpu.memory_space<semaphore_mem>>)
    %dma_wait3A_215 = arith.constant 4096 : i32
    %dma_wait3A_216 = tpu.memref_slice %arg2[%add3A_147, %dma_wait3A_215] : memref<64x16384xf32, #tpu.memory_space<hbm>> -> memref<1x4096xf32, #tpu.memory_space<hbm>>
    %dma_wait3A_217 = tpu.memref_squeeze %dma_wait3A_216 : memref<1x4096xf32, #tpu.memory_space<hbm>> -> memref<4096xf32, #tpu.memory_space<hbm>>
    %dma_wait3A_218 = arith.constant 4096 : i32
    %dma_wait3A_219 = tpu.memref_slice %arg2[%add3A_147, %dma_wait3A_218] : memref<64x16384xf32, #tpu.memory_space<hbm>> -> memref<1x4096xf32, #tpu.memory_space<hbm>>
    %dma_wait3A_220 = tpu.memref_squeeze %dma_wait3A_219 : memref<1x4096xf32, #tpu.memory_space<hbm>> -> memref<4096xf32, #tpu.memory_space<hbm>>
    tpu.wait_dma2 semaphore(%arg16 : memref<!tpu.dma_semaphore, #tpu.memory_space<semaphore_mem>>) src(%dma_wait3A_220 : memref<4096xf32, #tpu.memory_space<hbm>>) dst(%arg9 : memref<4096xf32, #tpu.memory_space<vmem>>)
    %dma_wait3A_221 = arith.constant 4096 : i32
    %dma_wait3A_222 = tpu.memref_slice %arg6[%dma_wait3A_221] : memref<16384xi32, #tpu.memory_space<vmem_shared>> -> memref<4096xi32, #tpu.memory_space<vmem_shared>>
    %dma_wait3A_223 = arith.constant 4096 : i32
    %dma_wait3A_224 = tpu.memref_slice %arg6[%dma_wait3A_223] : memref<16384xi32, #tpu.memory_space<vmem_shared>> -> memref<4096xi32, #tpu.memory_space<vmem_shared>>
    tpu.wait_dma2 semaphore(%arg20 : memref<!tpu.dma_semaphore, #tpu.memory_space<semaphore_mem>>) src(%dma_wait3A_224 : memref<4096xi32, #tpu.memory_space<vmem_shared>>) dst(%arg13 : memref<4096xi32, #tpu.memory_space<vmem>>)
    %dma_wait3A_225 = arith.constant 12288 : i32
    %dma_wait3A_226 = tpu.memref_slice %arg5[%add3A_6, %dma_wait3A_225] : memref<64x16384xf32, #tpu.memory_space<hbm>> -> memref<1x4096xf32, #tpu.memory_space<hbm>>
    %dma_wait3A_227 = tpu.memref_squeeze %dma_wait3A_226 : memref<1x4096xf32, #tpu.memory_space<hbm>> -> memref<4096xf32, #tpu.memory_space<hbm>>
    %dma_wait3A_228 = arith.constant 12288 : i32
    %dma_wait3A_229 = tpu.memref_slice %arg5[%add3A_6, %dma_wait3A_228] : memref<64x16384xf32, #tpu.memory_space<hbm>> -> memref<1x4096xf32, #tpu.memory_space<hbm>>
    %dma_wait3A_230 = tpu.memref_squeeze %dma_wait3A_229 : memref<1x4096xf32, #tpu.memory_space<hbm>> -> memref<4096xf32, #tpu.memory_space<hbm>>
    tpu.wait_dma2 semaphore(%arg18 : memref<!tpu.dma_semaphore, #tpu.memory_space<semaphore_mem>>) src(%arg11 : memref<4096xf32, #tpu.memory_space<vmem>>) dst(%dma_wait3A_230 : memref<4096xf32, #tpu.memory_space<hbm>>)
    %parallel_loop3A_231 = arith.constant 0 : i32
    %parallel_loop3A_232 = arith.constant 4096 : i32
    %parallel_loop3A_233 = arith.constant 16 : i32
    scf.for %parallel_loop3A_312 = %parallel_loop3A_231 to %parallel_loop3A_232 step %parallel_loop3A_233  : i32 {
      %parallel_loop3A_313 = arith.index_cast %parallel_loop3A_312 : i32 to index
      %parallel_loop3A_314 = tpu.vector_load %arg13[%parallel_loop3A_313] {strides = array<i32>} : memref<4096xi32, #tpu.memory_space<vmem>>, vector<16xi32>,
      %parallel_loop3A_315 = tpu.vector_load_idx %arg7[%parallel_loop3A_314] : memref<100000xf32, #tpu.memory_space<vmem>>[vector<16xi32>], vector<16xf32>,
      %parallel_loop3A_316 = arith.index_cast %parallel_loop3A_312 : i32 to index
      %parallel_loop3A_317 = tpu.vector_load %arg9[%parallel_loop3A_316] {strides = array<i32>} : memref<4096xf32, #tpu.memory_space<vmem>>, vector<16xf32>,
      %parallel_loop3A_318 = arith.addf %parallel_loop3A_315, %parallel_loop3A_317 : vector<16xf32>
      %parallel_loop3A_319 = arith.index_cast %parallel_loop3A_312 : i32 to index
      %parallel_loop3A_320 = tpu.vector_load %arg11[%parallel_loop3A_319] {strides = array<i32>} : memref<4096xf32, #tpu.memory_space<vmem>>, vector<16xf32>,
      tpu.vector_store %arg11[%parallel_loop3A_319], %parallel_loop3A_318 {strides = array<i32>} : memref<4096xf32, #tpu.memory_space<vmem>>, vector<16xf32>,
    } {sc.loop_unroll_factor = 4 : i64, sc.parallel_access}
    %dma_start3A_234 = arith.constant 4096 : i32
    %dma_start3A_235 = tpu.memref_slice %arg5[%add3A_147, %dma_start3A_234] : memref<64x16384xf32, #tpu.memory_space<hbm>> -> memref<1x4096xf32, #tpu.memory_space<hbm>>
    %dma_start3A_236 = tpu.memref_squeeze %dma_start3A_235 : memref<1x4096xf32, #tpu.memory_space<hbm>> -> memref<4096xf32, #tpu.memory_space<hbm>>
    %dma_start3A_237 = arith.constant 4096 : i32
    %dma_start3A_238 = tpu.memref_slice %arg5[%add3A_147, %dma_start3A_237] : memref<64x16384xf32, #tpu.memory_space<hbm>> -> memref<1x4096xf32, #tpu.memory_space<hbm>>
    %dma_start3A_239 = tpu.memref_squeeze %dma_start3A_238 : memref<1x4096xf32, #tpu.memory_space<hbm>> -> memref<4096xf32, #tpu.memory_space<hbm>>
    tpu.enqueue_dma source(%arg11 : memref<4096xf32, #tpu.memory_space<vmem>>) target(%dma_start3A_239 : memref<4096xf32, #tpu.memory_space<hbm>>) target_semaphore(%arg18 : memref<!tpu.dma_semaphore, #tpu.memory_space<semaphore_mem>>)
    %dma_start3A_240 = arith.constant 12288 : i32
    %dma_start3A_241 = tpu.memref_slice %arg2[%add3A_147, %dma_start3A_240] : memref<64x16384xf32, #tpu.memory_space<hbm>> -> memref<1x4096xf32, #tpu.memory_space<hbm>>
    %dma_start3A_242 = tpu.memref_squeeze %dma_start3A_241 : memref<1x4096xf32, #tpu.memory_space<hbm>> -> memref<4096xf32, #tpu.memory_space<hbm>>
    %dma_start3A_243 = arith.constant 12288 : i32
    %dma_start3A_244 = tpu.memref_slice %arg2[%add3A_147, %dma_start3A_243] : memref<64x16384xf32, #tpu.memory_space<hbm>> -> memref<1x4096xf32, #tpu.memory_space<hbm>>
    %dma_start3A_245 = tpu.memref_squeeze %dma_start3A_244 : memref<1x4096xf32, #tpu.memory_space<hbm>> -> memref<4096xf32, #tpu.memory_space<hbm>>
    tpu.enqueue_dma source(%dma_start3A_245 : memref<4096xf32, #tpu.memory_space<hbm>>) target(%arg9 : memref<4096xf32, #tpu.memory_space<vmem>>) target_semaphore(%arg16 : memref<!tpu.dma_semaphore, #tpu.memory_space<semaphore_mem>>)
    %dma_start3A_246 = arith.constant 12288 : i32
    %dma_start3A_247 = tpu.memref_slice %arg6[%dma_start3A_246] : memref<16384xi32, #tpu.memory_space<vmem_shared>> -> memref<4096xi32, #tpu.memory_space<vmem_shared>>
    %dma_start3A_248 = arith.constant 12288 : i32
    %dma_start3A_249 = tpu.memref_slice %arg6[%dma_start3A_248] : memref<16384xi32, #tpu.memory_space<vmem_shared>> -> memref<4096xi32, #tpu.memory_space<vmem_shared>>
    tpu.enqueue_dma source(%dma_start3A_249 : memref<4096xi32, #tpu.memory_space<vmem_shared>>) target(%arg13 : memref<4096xi32, #tpu.memory_space<vmem>>) target_semaphore(%arg20 : memref<!tpu.dma_semaphore, #tpu.memory_space<semaphore_mem>>)
    %dma_wait3A_250 = arith.constant 8192 : i32
    %dma_wait3A_251 = tpu.memref_slice %arg2[%add3A_147, %dma_wait3A_250] : memref<64x16384xf32, #tpu.memory_space<hbm>> -> memref<1x4096xf32, #tpu.memory_space<hbm>>
    %dma_wait3A_252 = tpu.memref_squeeze %dma_wait3A_251 : memref<1x4096xf32, #tpu.memory_space<hbm>> -> memref<4096xf32, #tpu.memory_space<hbm>>
    %dma_wait3A_253 = arith.constant 8192 : i32
    %dma_wait3A_254 = tpu.memref_slice %arg2[%add3A_147, %dma_wait3A_253] : memref<64x16384xf32, #tpu.memory_space<hbm>> -> memref<1x4096xf32, #tpu.memory_space<hbm>>
    %dma_wait3A_255 = tpu.memref_squeeze %dma_wait3A_254 : memref<1x4096xf32, #tpu.memory_space<hbm>> -> memref<4096xf32, #tpu.memory_space<hbm>>
    tpu.wait_dma2 semaphore(%arg15 : memref<!tpu.dma_semaphore, #tpu.memory_space<semaphore_mem>>) src(%dma_wait3A_255 : memref<4096xf32, #tpu.memory_space<hbm>>) dst(%arg8 : memref<4096xf32, #tpu.memory_space<vmem>>)
    %dma_wait3A_256 = arith.constant 8192 : i32
    %dma_wait3A_257 = tpu.memref_slice %arg6[%dma_wait3A_256] : memref<16384xi32, #tpu.memory_space<vmem_shared>> -> memref<4096xi32, #tpu.memory_space<vmem_shared>>
    %dma_wait3A_258 = arith.constant 8192 : i32
    %dma_wait3A_259 = tpu.memref_slice %arg6[%dma_wait3A_258] : memref<16384xi32, #tpu.memory_space<vmem_shared>> -> memref<4096xi32, #tpu.memory_space<vmem_shared>>
    tpu.wait_dma2 semaphore(%arg19 : memref<!tpu.dma_semaphore, #tpu.memory_space<semaphore_mem>>) src(%dma_wait3A_259 : memref<4096xi32, #tpu.memory_space<vmem_shared>>) dst(%arg12 : memref<4096xi32, #tpu.memory_space<vmem>>)
    %dma_wait3A_260 = arith.constant 0 : i32
    %dma_wait3A_261 = tpu.memref_slice %arg5[%add3A_147, %dma_wait3A_260] : memref<64x16384xf32, #tpu.memory_space<hbm>> -> memref<1x4096xf32, #tpu.memory_space<hbm>>
    %dma_wait3A_262 = tpu.memref_squeeze %dma_wait3A_261 : memref<1x4096xf32, #tpu.memory_space<hbm>> -> memref<4096xf32, #tpu.memory_space<hbm>>
    %dma_wait3A_263 = arith.constant 0 : i32
    %dma_wait3A_264 = tpu.memref_slice %arg5[%add3A_147, %dma_wait3A_263] : memref<64x16384xf32, #tpu.memory_space<hbm>> -> memref<1x4096xf32, #tpu.memory_space<hbm>>
    %dma_wait3A_265 = tpu.memref_squeeze %dma_wait3A_264 : memref<1x4096xf32, #tpu.memory_space<hbm>> -> memref<4096xf32, #tpu.memory_space<hbm>>
    tpu.wait_dma2 semaphore(%arg17 : memref<!tpu.dma_semaphore, #tpu.memory_space<semaphore_mem>>) src(%arg10 : memref<4096xf32, #tpu.memory_space<vmem>>) dst(%dma_wait3A_265 : memref<4096xf32, #tpu.memory_space<hbm>>)
    %parallel_loop3A_266 = arith.constant 0 : i32
    %parallel_loop3A_267 = arith.constant 4096 : i32
    %parallel_loop3A_268 = arith.constant 16 : i32
    scf.for %parallel_loop3A_312 = %parallel_loop3A_266 to %parallel_loop3A_267 step %parallel_loop3A_268  : i32 {
      %parallel_loop3A_313 = arith.index_cast %parallel_loop3A_312 : i32 to index
      %parallel_loop3A_314 = tpu.vector_load %arg12[%parallel_loop3A_313] {strides = array<i32>} : memref<4096xi32, #tpu.memory_space<vmem>>, vector<16xi32>,
      %parallel_loop3A_315 = tpu.vector_load_idx %arg7[%parallel_loop3A_314] : memref<100000xf32, #tpu.memory_space<vmem>>[vector<16xi32>], vector<16xf32>,
      %parallel_loop3A_316 = arith.index_cast %parallel_loop3A_312 : i32 to index
      %parallel_loop3A_317 = tpu.vector_load %arg8[%parallel_loop3A_316] {strides = array<i32>} : memref<4096xf32, #tpu.memory_space<vmem>>, vector<16xf32>,
      %parallel_loop3A_318 = arith.addf %parallel_loop3A_315, %parallel_loop3A_317 : vector<16xf32>
      %parallel_loop3A_319 = arith.index_cast %parallel_loop3A_312 : i32 to index
      %parallel_loop3A_320 = tpu.vector_load %arg10[%parallel_loop3A_319] {strides = array<i32>} : memref<4096xf32, #tpu.memory_space<vmem>>, vector<16xf32>,
      tpu.vector_store %arg10[%parallel_loop3A_319], %parallel_loop3A_318 {strides = array<i32>} : memref<4096xf32, #tpu.memory_space<vmem>>, vector<16xf32>,
    } {sc.loop_unroll_factor = 4 : i64, sc.parallel_access}
    %dma_start3A_269 = arith.constant 8192 : i32
    %dma_start3A_270 = tpu.memref_slice %arg5[%add3A_147, %dma_start3A_269] : memref<64x16384xf32, #tpu.memory_space<hbm>> -> memref<1x4096xf32, #tpu.memory_space<hbm>>
    %dma_start3A_271 = tpu.memref_squeeze %dma_start3A_270 : memref<1x4096xf32, #tpu.memory_space<hbm>> -> memref<4096xf32, #tpu.memory_space<hbm>>
    %dma_start3A_272 = arith.constant 8192 : i32
    %dma_start3A_273 = tpu.memref_slice %arg5[%add3A_147, %dma_start3A_272] : memref<64x16384xf32, #tpu.memory_space<hbm>> -> memref<1x4096xf32, #tpu.memory_space<hbm>>
    %dma_start3A_274 = tpu.memref_squeeze %dma_start3A_273 : memref<1x4096xf32, #tpu.memory_space<hbm>> -> memref<4096xf32, #tpu.memory_space<hbm>>
    tpu.enqueue_dma source(%arg10 : memref<4096xf32, #tpu.memory_space<vmem>>) target(%dma_start3A_274 : memref<4096xf32, #tpu.memory_space<hbm>>) target_semaphore(%arg17 : memref<!tpu.dma_semaphore, #tpu.memory_space<semaphore_mem>>)
    %dma_wait3A_275 = arith.constant 12288 : i32
    %dma_wait3A_276 = tpu.memref_slice %arg2[%add3A_147, %dma_wait3A_275] : memref<64x16384xf32, #tpu.memory_space<hbm>> -> memref<1x4096xf32, #tpu.memory_space<hbm>>
    %dma_wait3A_277 = tpu.memref_squeeze %dma_wait3A_276 : memref<1x4096xf32, #tpu.memory_space<hbm>> -> memref<4096xf32, #tpu.memory_space<hbm>>
    %dma_wait3A_278 = arith.constant 12288 : i32
    %dma_wait3A_279 = tpu.memref_slice %arg2[%add3A_147, %dma_wait3A_278] : memref<64x16384xf32, #tpu.memory_space<hbm>> -> memref<1x4096xf32, #tpu.memory_space<hbm>>
    %dma_wait3A_280 = tpu.memref_squeeze %dma_wait3A_279 : memref<1x4096xf32, #tpu.memory_space<hbm>> -> memref<4096xf32, #tpu.memory_space<hbm>>
    tpu.wait_dma2 semaphore(%arg16 : memref<!tpu.dma_semaphore, #tpu.memory_space<semaphore_mem>>) src(%dma_wait3A_280 : memref<4096xf32, #tpu.memory_space<hbm>>) dst(%arg9 : memref<4096xf32, #tpu.memory_space<vmem>>)
    %dma_wait3A_281 = arith.constant 12288 : i32
    %dma_wait3A_282 = tpu.memref_slice %arg6[%dma_wait3A_281] : memref<16384xi32, #tpu.memory_space<vmem_shared>> -> memref<4096xi32, #tpu.memory_space<vmem_shared>>
    %dma_wait3A_283 = arith.constant 12288 : i32
    %dma_wait3A_284 = tpu.memref_slice %arg6[%dma_wait3A_283] : memref<16384xi32, #tpu.memory_space<vmem_shared>> -> memref<4096xi32, #tpu.memory_space<vmem_shared>>
    tpu.wait_dma2 semaphore(%arg20 : memref<!tpu.dma_semaphore, #tpu.memory_space<semaphore_mem>>) src(%dma_wait3A_284 : memref<4096xi32, #tpu.memory_space<vmem_shared>>) dst(%arg13 : memref<4096xi32, #tpu.memory_space<vmem>>)
    %dma_wait3A_285 = arith.constant 4096 : i32
    %dma_wait3A_286 = tpu.memref_slice %arg5[%add3A_147, %dma_wait3A_285] : memref<64x16384xf32, #tpu.memory_space<hbm>> -> memref<1x4096xf32, #tpu.memory_space<hbm>>
    %dma_wait3A_287 = tpu.memref_squeeze %dma_wait3A_286 : memref<1x4096xf32, #tpu.memory_space<hbm>> -> memref<4096xf32, #tpu.memory_space<hbm>>
    %dma_wait3A_288 = arith.constant 4096 : i32
    %dma_wait3A_289 = tpu.memref_slice %arg5[%add3A_147, %dma_wait3A_288] : memref<64x16384xf32, #tpu.memory_space<hbm>> -> memref<1x4096xf32, #tpu.memory_space<hbm>>
    %dma_wait3A_290 = tpu.memref_squeeze %dma_wait3A_289 : memref<1x4096xf32, #tpu.memory_space<hbm>> -> memref<4096xf32, #tpu.memory_space<hbm>>
    tpu.wait_dma2 semaphore(%arg18 : memref<!tpu.dma_semaphore, #tpu.memory_space<semaphore_mem>>) src(%arg11 : memref<4096xf32, #tpu.memory_space<vmem>>) dst(%dma_wait3A_290 : memref<4096xf32, #tpu.memory_space<hbm>>)
    %parallel_loop3A_291 = arith.constant 0 : i32
    %parallel_loop3A_292 = arith.constant 4096 : i32
    %parallel_loop3A_293 = arith.constant 16 : i32
    scf.for %parallel_loop3A_312 = %parallel_loop3A_291 to %parallel_loop3A_292 step %parallel_loop3A_293  : i32 {
      %parallel_loop3A_313 = arith.index_cast %parallel_loop3A_312 : i32 to index
      %parallel_loop3A_314 = tpu.vector_load %arg13[%parallel_loop3A_313] {strides = array<i32>} : memref<4096xi32, #tpu.memory_space<vmem>>, vector<16xi32>,
      %parallel_loop3A_315 = tpu.vector_load_idx %arg7[%parallel_loop3A_314] : memref<100000xf32, #tpu.memory_space<vmem>>[vector<16xi32>], vector<16xf32>,
      %parallel_loop3A_316 = arith.index_cast %parallel_loop3A_312 : i32 to index
      %parallel_loop3A_317 = tpu.vector_load %arg9[%parallel_loop3A_316] {strides = array<i32>} : memref<4096xf32, #tpu.memory_space<vmem>>, vector<16xf32>,
      %parallel_loop3A_318 = arith.addf %parallel_loop3A_315, %parallel_loop3A_317 : vector<16xf32>
      %parallel_loop3A_319 = arith.index_cast %parallel_loop3A_312 : i32 to index
      %parallel_loop3A_320 = tpu.vector_load %arg11[%parallel_loop3A_319] {strides = array<i32>} : memref<4096xf32, #tpu.memory_space<vmem>>, vector<16xf32>,
      tpu.vector_store %arg11[%parallel_loop3A_319], %parallel_loop3A_318 {strides = array<i32>} : memref<4096xf32, #tpu.memory_space<vmem>>, vector<16xf32>,
    } {sc.loop_unroll_factor = 4 : i64, sc.parallel_access}
    %dma_start3A_294 = arith.constant 12288 : i32
    %dma_start3A_295 = tpu.memref_slice %arg5[%add3A_147, %dma_start3A_294] : memref<64x16384xf32, #tpu.memory_space<hbm>> -> memref<1x4096xf32, #tpu.memory_space<hbm>>
    %dma_start3A_296 = tpu.memref_squeeze %dma_start3A_295 : memref<1x4096xf32, #tpu.memory_space<hbm>> -> memref<4096xf32, #tpu.memory_space<hbm>>
    %dma_start3A_297 = arith.constant 12288 : i32
    %dma_start3A_298 = tpu.memref_slice %arg5[%add3A_147, %dma_start3A_297] : memref<64x16384xf32, #tpu.memory_space<hbm>> -> memref<1x4096xf32, #tpu.memory_space<hbm>>
    %dma_start3A_299 = tpu.memref_squeeze %dma_start3A_298 : memref<1x4096xf32, #tpu.memory_space<hbm>> -> memref<4096xf32, #tpu.memory_space<hbm>>
    tpu.enqueue_dma source(%arg11 : memref<4096xf32, #tpu.memory_space<vmem>>) target(%dma_start3A_299 : memref<4096xf32, #tpu.memory_space<hbm>>) target_semaphore(%arg18 : memref<!tpu.dma_semaphore, #tpu.memory_space<semaphore_mem>>)
    %dma_wait3A_300 = arith.constant 8192 : i32
    %dma_wait3A_301 = tpu.memref_slice %arg5[%add3A_147, %dma_wait3A_300] : memref<64x16384xf32, #tpu.memory_space<hbm>> -> memref<1x4096xf32, #tpu.memory_space<hbm>>
    %dma_wait3A_302 = tpu.memref_squeeze %dma_wait3A_301 : memref<1x4096xf32, #tpu.memory_space<hbm>> -> memref<4096xf32, #tpu.memory_space<hbm>>
    %dma_wait3A_303 = arith.constant 8192 : i32
    %dma_wait3A_304 = tpu.memref_slice %arg5[%add3A_147, %dma_wait3A_303] : memref<64x16384xf32, #tpu.memory_space<hbm>> -> memref<1x4096xf32, #tpu.memory_space<hbm>>
    %dma_wait3A_305 = tpu.memref_squeeze %dma_wait3A_304 : memref<1x4096xf32, #tpu.memory_space<hbm>> -> memref<4096xf32, #tpu.memory_space<hbm>>
    tpu.wait_dma2 semaphore(%arg17 : memref<!tpu.dma_semaphore, #tpu.memory_space<semaphore_mem>>) src(%arg10 : memref<4096xf32, #tpu.memory_space<vmem>>) dst(%dma_wait3A_305 : memref<4096xf32, #tpu.memory_space<hbm>>)
    %dma_wait3A_306 = arith.constant 12288 : i32
    %dma_wait3A_307 = tpu.memref_slice %arg5[%add3A_147, %dma_wait3A_306] : memref<64x16384xf32, #tpu.memory_space<hbm>> -> memref<1x4096xf32, #tpu.memory_space<hbm>>
    %dma_wait3A_308 = tpu.memref_squeeze %dma_wait3A_307 : memref<1x4096xf32, #tpu.memory_space<hbm>> -> memref<4096xf32, #tpu.memory_space<hbm>>
    %dma_wait3A_309 = arith.constant 12288 : i32
    %dma_wait3A_310 = tpu.memref_slice %arg5[%add3A_147, %dma_wait3A_309] : memref<64x16384xf32, #tpu.memory_space<hbm>> -> memref<1x4096xf32, #tpu.memory_space<hbm>>
    %dma_wait3A_311 = tpu.memref_squeeze %dma_wait3A_310 : memref<1x4096xf32, #tpu.memory_space<hbm>> -> memref<4096xf32, #tpu.memory_space<hbm>>
    tpu.wait_dma2 semaphore(%arg18 : memref<!tpu.dma_semaphore, #tpu.memory_space<semaphore_mem>>) src(%arg11 : memref<4096xf32, #tpu.memory_space<vmem>>) dst(%dma_wait3A_311 : memref<4096xf32, #tpu.memory_space<hbm>>)
    return
  }
}

</mosaic_0001>

<sc_bundles>
// kernel: _run.3.cloned.1.call-start
scs
__scs_entry_jumppad:
0x0: {  	(pc) =	sbr.rel $0x88, $3  }
0x1: {  	(tag) =	ssettag $0x0;
	lr =	simm.s32 $0x1  }
0x2: {  	[smem:$0x3F9E] =	sst lr;
	_ =	strace $0xD0000000  }
0x3: {  	_ = 	snop  }
0x4: {  	_ = 	snop  }
0x5: {  	_ = 	snop  }
0x6: {  	_ = 	snop  }
0x7: {  	_ = 	snop  }
__scs_overlays_trampoline_lowered:
0x8: {  	[smem:$0x3FAD] =	sst s0  }
0x9: {  	[smem:$0x3FAE] =	sst s1  }
0xa: {  	[smem:$0x3FAF] =	sst s2  }
0xb: {  	[smem:$0x3FB0] =	sst s3  }
0xc: {  	[smem:$0x3FB1] =	sst s4  }
0xd: {  	[smem:$0x3FB2] =	sst s5  }
0xe: {  	[smem:$0x3FB3] =	sst s6  }
0xf: {  	[smem:$0x3FB4] =	sst s7  }
0x10: {  	[smem:$0x3FB5] =	sst s8  }
0x11: {  	[smem:$0x3FB6] =	sst s9;
	s0 =	simm.s32 @!p0 $0x0  }
0x12: {  	s1 =	sld [smem:$0x3F9C];
	s0 =	simm.s32 @p0 $0x1  }
0x13: {  	[smem:$0x3FB7] =	sst s0;
	s0 =	simm.s32 @!p1 $0x0  }
0x14: {  	s2 =	sld [smem:$0x3F9B];
	s0 =	simm.s32 @p1 $0x1  }
0x15: {  	[smem:$0x3FB8] =	sst s0;
	s0 =	simm.s32 @!p2 $0x0  }
0x16: {  	s3 =	sld [smem:$0x3FDB];
	s0 =	simm.s32 @p2 $0x1  }
0x17: {  	s4 =	simm.s32 $0x1BF5;
	[smem:$0x3FBA] =	sst s0  }
0x18: {  	s0 =	sld [smem:$0x3F9D];
	_ =	swait.ge [sflag:s4], $0x0  }
0x19: {  	s7 =	sld [smem:$0x3F9E]  }
0x1a: {  	s8 =	sadd.s32 $0xFFFFE003, lr  }
0x1b: {  	s9 =	sadd.s32 $0xFFFFFEF7, lr;
	s5 =	simm.s32 $0xFFFFFFFF;
	p2 =	slt.u32 s8, $0xFFFFF086  }
0x1c: {  	p1 =	slt.u32 s9, $0xF7A;
	s5 =	simm.s32 @!p2 $0x0  }
0x1d: {  	s5 =	simm.s32 @p1 $0x1;
	p0 =	seq.s32 s7, s2  }
0x1e: {  	s7 =	smul.u32 @!p0 $0xF7A, s2;
	p2 =	seq.s32 @!p0 s5, $0x0  }
0x1f: {  	s9 =	smul.u32 $0xF7A, s1;
	s8 =	simm.s32 @!p0 $0x1BF5;
	p2 =	por !p2, p0  }
0x20: {  	[sflag:s8] =	ssyncset.s32 @!p0 $0xFFFFF086;
	s6 =	sadd.s32 @!p0 s3, s7;
	s7 =	simm.s32 @!p0 $0x108  }
0x21: {  	s3 =	sadd.s32 s3, s9;
	s6 =	sadd.s32 @!p0 $0x88, s6;
	s7 =	simm.s32 @p2 $0x1082  }
0x22: {  	[simem:s7], [sflag:s8] =	dma.local @!p0 [hbm:s6], $0xF7A  }
0x23: {  	s9 =	sor.u32 $0xD0000000, s2;
	s6 =	simm.s32 $0x108;
	_ =	swait.ge @!p0 [sflag:s8], $0x0  }
0x24: {  	s3 =	sadd.s32 $0x88, s3;
	s6 =	simm.s32 @!p1 $0x1082;
	[sflag:s4] =	ssyncset.s32 $0xFFFFF086  }
0x25: {  	[simem:s6], [sflag:s4] =	dma.local [hbm:s3], $0xF7A  }
0x26: {  	[smem:$0x3F9E] =	sst s1;
	(tag) =	ssettag s2;
	_ =	strace s9  }
0x27: {  	s1 =	sld [smem:$0x3FAE]  }
0x28: {  	s2 =	sld [smem:$0x3FAF]  }
0x29: {  	s4 =	sld [smem:$0x3FB1]  }
0x2a: {  	p0 =	seq.s32 s5, $0x0;
	s5 =	sld [smem:$0x3FB2]  }
0x2b: {  	s6 =	sld [smem:$0x3FB3]  }
0x2c: {  	s7 =	sld [smem:$0x3FB4]  }
0x2d: {  	s3 =	simm.s32 $0x108;
	s8 =	sld [smem:$0x3FB5]  }
0x2e: {  	s3 =	simm.s32 @!p0 $0x1082;
	s9 =	sld [smem:$0x3FB6]  }
0x2f: {  	lr =	sadd.s32 s0, s3;
	s0 =	sld [smem:$0x3FAD]  }
0x30: {  	s3 =	sld [smem:$0x3FB0]  }
0x31: {  	[smem:$0x3FB9] =	sst s10  }
0x32: {  	s10 =	sld [smem:$0x3FB7];
	_ =	sdelay $0x3  }
0x33: {  	p0 =	seq.s32 s10, $0x1;
	s10 =	sld [smem:$0x3FB9];
	_ =	sdelay $0x3  }
0x34: {  	[smem:$0x3FB9] =	sst s10  }
0x35: {  	s10 =	sld [smem:$0x3FB8];
	_ =	sdelay $0x3  }
0x36: {  	p1 =	seq.s32 s10, $0x1;
	s10 =	sld [smem:$0x3FB9];
	_ =	sdelay $0x3  }
0x37: {  	[smem:$0x3FB9] =	sst s10  }
0x38: {  	s10 =	sld [smem:$0x3FBA]  }
0x39: {  	_ = 	snop;
	(pc) =	sbr.ind lr, $3  }
0x3a: {  	_ = 	snop  }
0x3b: {  	_ = 	snop  }
0x3c: {  	p2 =	seq.s32 s10, $0x1;
	s10 =	sld [smem:$0x3FB9]  }
0x3d: {  	_ =	shalt  }
0x3e: {  	_ =	shalt  }
0x3f: {  	_ =	shalt  }
0x40: {  	_ =	shalt  }
0x41: {  	_ =	shalt  }
0x42: {  	_ =	shalt  }
0x43: {  	_ =	shalt  }
0x44: {  	_ =	shalt  }
0x45: {  	_ =	shalt  }
0x46: {  	_ =	shalt  }
0x47: {  	_ =	shalt  }
0x48: {  	_ =	shalt  }
0x49: {  	_ =	shalt  }
0x4a: {  	_ =	shalt  }
0x4b: {  	_ =	shalt  }
0x4c: {  	_ =	shalt  }
0x4d: {  	_ =	shalt  }
0x4e: {  	_ =	shalt  }
0x4f: {  	_ =	shalt  }
0x50: {  	_ =	shalt  }
0x51: {  	_ =	shalt  }
0x52: {  	_ =	shalt  }
0x53: {  	_ =	shalt  }
0x54: {  	_ =	shalt  }
0x55: {  	_ =	shalt  }
0x56: {  	_ =	shalt  }
0x57: {  	_ =	shalt  }
0x58: {  	_ =	shalt  }
0x59: {  	_ =	shalt  }
0x5a: {  	_ =	shalt  }
0x5b: {  	_ =	shalt  }
0x5c: {  	_ =	shalt  }
0x5d: {  	_ =	shalt  }
0x5e: {  	_ =	shalt  }
0x5f: {  	_ =	shalt  }
0x60: {  	_ =	shalt  }
0x61: {  	_ =	shalt  }
0x62: {  	_ =	shalt  }
0x63: {  	_ =	shalt  }
0x64: {  	_ =	shalt  }
0x65: {  	_ =	shalt  }
0x66: {  	_ =	shalt  }
0x67: {  	_ =	shalt  }
0x68: {  	_ =	shalt  }
0x69: {  	_ =	shalt  }
0x6a: {  	_ =	shalt  }
0x6b: {  	_ =	shalt  }
0x6c: {  	_ =	shalt  }
0x6d: {  	_ =	shalt  }
0x6e: {  	_ =	shalt  }
0x6f: {  	_ =	shalt  }
0x70: {  	_ =	shalt  }
0x71: {  	_ =	shalt  }
0x72: {  	_ =	shalt  }
0x73: {  	_ =	shalt  }
0x74: {  	_ =	shalt  }
0x75: {  	_ =	shalt  }
0x76: {  	_ =	shalt  }
0x77: {  	_ =	shalt  }
0x78: {  	_ =	shalt  }
0x79: {  	_ =	shalt  }
0x7a: {  	_ =	shalt  }
0x7b: {  	_ =	shalt  }
0x7c: {  	_ =	shalt  }
0x7d: {  	_ =	shalt  }
0x7e: {  	_ =	shalt  }
0x7f: {  	_ =	shalt  }
0x80: {  	_ =	shalt  }
0x81: {  	_ =	shalt  }
0x82: {  	_ =	shalt  }
0x83: {  	_ =	shalt  }
0x84: {  	_ =	shalt  }
0x85: {  	_ =	shalt  }
0x86: {  	_ =	shalt  }
0x87: {  	_ =	shalt  }
.Lfunc_end0:
.L_simem_size_0:
called_computation_lowered:
.L_overlay_start_0:
0x88: {  	s2 =	sld [smem:$0x3FD9]  }
0x89: {  	s3 =	sld [smem:$0x3FFE];
	_ =	sdelay $0x1  }
0x8a: {  	s1 =	srdreg.scid  }
0x8b: {  	s0 =	sand.u32 $0x1, s1  }
0x8c: {  	s18 =	sshll.u32 s0, $0xA;
	s2 =	sadd.s32 s3, s2  }
0x8d: {  	s2 =	sadd.s32 s2, s18  }
0x8e: {  	[smem:$0x3FC5] =	sst s2  }
0x8f: {  	_ = 	snop  }
0x90: {  	s2 =	sld [smem:$0x3FC9]  }
0x91: {  	s19 =	sld [smem:$0x3FC8]  }
0x92: {  	s4 =	sld [smem:$0x3FC7]  }
0x93: {  	s5 =	sld [smem:$0x3FD0];
	(tm) =	ssettm $0x1  }
0x94: {  	s6 =	sld [smem:$0x3FFB];
	_ =	sdelay $0x3  }
0x95: {  	_ =	strace s6  }
0x96: {  	s6 =	sld [smem:$0x3FFC];
	_ =	sdelay $0x3  }
0x97: {  	_ =	strace s6  }
0x98: {  	s6 =	sld [smem:$0x3FFD];
	_ =	sdelay $0x3  }
0x99: {  	_ =	strace s6  }
0x9a: {  	_ =	strace $0x8FFFFFFF  }
0x9b: {  	s20 =	sld [smem:$0x3FDB];
	_ =	sdelay $0x1  }
0x9c: {  	s7 =	simm.s32 $_scs_section_size  }
0x9d: {  	s8 =	simm.s32 $_size__tile_overlayer_lowered;
	s9 =	simm.s32 $_tile_overlayer_lowered  }
0x9e: {  	s23 =	simm.s32 $0x1BFF;
	s22 =	sshll.u32 s9, $0x1;
	s6 =	sadd.s32 s7, s20  }
0x9f: {  	s10 =	simm.s32 $0x0;
	s21 =	sshll.u32 s8, $0x1;
	s8 =	sadd.s32 s22, s6  }
0xa0: {  	[timem:s10], [sflag:s23] =	dma.local [hbm:s8], s21  }
0xa1: {  	_ =	swait.ge [sflag:s23], s21  }
0xa2: {  	s7 =	ssub.s32 $0x0, s21;
	[sflag:s23] =	ssyncset.done $0x0  }
0xa3: {  	[sflag:s23] =	ssyncadd.s32 s7;
	_ =	sdelay $0x1  }
0xa4: {  	s24 =	simm.s32 $0x1B8B  }
0xa5: {  	_ =	swait.ge [sflag:s24], $0x1  }
0xa6: {  	[sflag:s24] =	ssyncset.done $0x0  }
0xa7: {  	s25 =	simm.s32 $0x1B8E;
	[sflag:s24] =	ssyncadd.s32 $0xFFFFFFFF  }
0xa8: {  	s26 =	simm.s32 $execute0_lowered;
	[smem:$0x3FD2] =	sst s25  }
0xa9: {  	s7 =	sshll.u32 s26, $0x1;
	_ =	strace $0x80000046;
	[dreg:$0x1] =	wrdreg $0xFFFFFFFF  }
0xaa: {  	s28 =	simm.s32 $_size_execute0_lowered;
	s6 =	sadd.s32 s6, s7;
	[dreg:$0x0] =	wrdreg $0x0  }
0xab: {  	s7 =	sshll.u32 s28, $0x1;
	[dreg:$0x2] =	wrdreg s6  }
0xac: {  	[dreg:$0x3] =	wrdreg s7  }
0xad: {  	[dreg:$0x4] =	wrdreg $0xC0  }
0xae: {  	_ =	task [dreg:s10], $0x5FFFF  }
0xaf: {  	[dreg:$0x1] =	wrdreg $0xFFFFFFFF  }
0xb0: {  	[dreg:$0x0] =	wrdreg $0x60  }
0xb1: {  	[dreg:$0x2] =	wrdreg s2  }
0xb2: {  	[dreg:$0x3] =	wrdreg s19  }
0xb3: {  	[dreg:$0x4] =	wrdreg s4  }
0xb4: {  	[dreg:$0x5] =	wrdreg s5  }
0xb5: {  	[dreg:$0x6] =	wrdreg $0x0  }
0xb6: {  	[dreg:$0x7] =	wrdreg $0x9  }
0xb7: {  	_ =	task.clear_ibuf [dreg:s10], $0x8FFFF;
	_ =	strace $0x90000046  }
0xb8: {  	s29 =	simm.s32 $0x9;
	_ =	strace $0x80000048  }
0xb9: {  	_ =	swait.ge [sflag:s29], $0x1  }
0xba: {  	[sflag:s29] =	ssyncadd.s32 $0xFFFFFFFF  }
0xbb: {  	_ =	strace $0x90000048  }
0xbc: {  	_ =	sfence  }
0xbd: {  	s30 =	sld [smem:$0x0];
	_ =	sdelay $0x2  }
0xbe: {  	s31 =	sshll.u32 s1, $0xD;
	s1 =	sshrl.u32 s1, $0x2  }
0xbf: {  	s3 =	sand.u32 $0x4000, s31;
	s1 =	sadd.s32 s1, s30  }
0xc0: {  	s0 =	sor.u32 s3, s0;
	s1 =	sshll.u32 s1, $0x11  }
0xc1: {  	s0 =	sor.u32 s1, s0  }
0xc2: {  	s0 =	sadd.s32 $0x8F2B, s0  }
0xc3: {  	[sflag:s0] =	ssyncadd.remote.s32 $0x1  }
0xc4: {  	_ =	sfence.sel $0xFFFF  }
0xc5: {  	[dreg:$0x0] =	wrdreg $0xFFFFFFFF;
	(pc) =	sbr.abs _section_cstart, $3  }
0xc6: {  	[dreg:$0x1] =	wrdreg $0xFFFFFFFF  }
0xc7: {  	_ =	task.clear_ibuf [dreg:s10], $0x2FFFF;
	_ =	strace $0x9FFFFFFF  }
0xc8: {  	(tm) =	ssettm $0x7FFFFFFF  }
0xc9: {  	_ =	shalt  }
tec
execute0_lowered:
.L_overlay_start_1:
0x0: {  	(tag) =	ssettag $0x1  }
0x1: {  	s0 =	rddreg [dreg:$0x0]  }
0x2: {  	s1 =	rddreg [dreg:$0x2]  }
0x3: {  	s4 =	rddreg [dreg:$0x3]  }
0x4: {  	s2 =	rddreg [dreg:$0x4]  }
0x5: {  	s3 =	simm.s32 $0x0;
	s5 =	srdreg.scid;
	s6 =	stileid.u32  }
0x6: {  	s28 =	simm.s32 $0x400;
	s29 =	simm.s32 $0x18B00;
	s30 =	simm.s32 $0x1CB00  }
0x7: {  	s31 =	simm.s32 $0x1;
	[smem:$0x7FF] =	sst s3;
	s5 =	sand.u32 $0x1, s5  }
0x8: {  	s7 =	sshll.u32 s6, $0x9;
	s9 =	sshrl.u32 s6, $0x1;
	p0 =	sne.s32 s6, $0x0  }
0x9: {  	s6 =	simm.s32 $0x1AB00;
	s8 =	sshll.u32 s5, $0x8;
	s7 =	sand.u32 $0x200, s7  }
0xa: {  	s10 =	smul.u32 $0xC3800, s9;
	s9 =	sshll.u32 s9, $0x11;
	s5 =	ssub.s32 $0x2, s5  }
0xb: {  	_ =	strace $0x80000047;
	s8 =	sor.u32 s8, s7;
	s11 =	sshrl.u32 s5, $0x1  }
0xc: {  	s7 =	sor.u32 s9, s8;
	s12 =	sor.u32 s10, s8;
	s5 =	ssub.s32 s5, s11  }
0xd: {  	s8 =	sor.u32 $0x80, s8;
	s13 =	sshrl.u32 s7, $0x3;
	s25 =	sshrl.u32 s12, $0x3  }
0xe: {  	s9 =	sor.u32 s9, s8;
	s8 =	sor.u32 s10, s8;
	s10 =	simm.s32 $0x1BB00  }
0xf: {  	s12 =	simm.s32 $0x5;
	s26 =	sor.u32 $0x1000, s13;
	s7 =	sadd.s32 s1, s25  }
0x10: {  	s15 =	sadd.s32 s0, s13;
	s17 =	sadd.s32 s4, s13;
	[dreg:$0x6] =	wrdreg s7  }
0x11: {  	s18 =	sor.u32 $0x2000, s13;
	s13 =	sor.u32 $0x3000, s13;
	[dreg:$0x7] =	wrdreg s15  }
0x12: {  	s9 =	sshrl.u32 s9, $0x3;
	s16 =	sadd.s32 s0, s26;
	[dreg:$0x9] =	wrdreg s17  }
0x13: {  	s8 =	sshrl.u32 s8, $0x3;
	s14 =	sadd.s32 s0, s18;
	[dreg:$0x8] =	wrdreg s16  }
0x14: {  	s7 =	sadd.s32 $0x1000, s2;
	s11 =	sadd.s32 s4, s26;
	[dreg:$0xa] =	wrdreg s14  }
0x15: {  	s19 =	sadd.s32 s0, s13;
	s20 =	sadd.s32 s4, s18;
	[dreg:$0xb] =	wrdreg s11  }
0x16: {  	s21 =	sadd.s32 s4, s13;
	s22 =	sor.u32 $0x1000, s9;
	[dreg:$0xc] =	wrdreg s19  }
0x17: {  	s1 =	sadd.s32 s1, s8;
	s23 =	sadd.s32 s0, s9;
	[dreg:$0xd] =	wrdreg s20  }
0x18: {  	s17 =	sadd.s32 s4, s9;
	s25 =	sor.u32 $0x2000, s9;
	[dreg:$0xe] =	wrdreg s21  }
0x19: {  	s26 =	sor.u32 $0x3000, s9;
	s8 =	simm.s32 $0x3;
	[dreg:$0xf] =	wrdreg s1  }
0x1a: {  	s9 =	simm.s32 $0x7;
	[dreg:$0x10] =	wrdreg s23;
	s24 =	sadd.s32 s0, s22  }
0x1b: {  	s18 =	sadd.s32 s0, s25;
	s19 =	sadd.s32 s4, s22;
	s20 =	sadd.s32 s0, s26  }
0x1c: {  	s21 =	sadd.s32 s4, s25;
	s22 =	sadd.s32 s4, s26;
	s23 =	sadd.s32 $0x2000, s2  }
0x1d: {  	s25 =	smax.u32 s5, $0x1;
	s26 =	simm.s32 $0x80;
	s0 =	simm.s32 $0x19B00  }
0x1e: {  	s1 =	simm.s32 $0x1DB00;
	s4 =	simm.s32 $0x2;
	s5 =	simm.s32 $0x6  }
0x1f: {  	s11 =	simm.s32 $0x4;
	[dreg:$0x11] =	wrdreg s24;
	s24 =	sadd.s32 $0x3000, s2  }
.LBB2_1:
0x20: {  	s13 =	sshrl.u32 @!p0 s2, $0x3;
	s14 =	simm.s32 @!p0 $0x1C08;
	s15 =	rddreg [dreg:$0x1]  }
0x21: {  	[spmem:s13], [sflag:s14] =	dma.local @!p0 [hbm:s15], $0x800  }
0x22: {  	s13 =	simm.s32 @!p0 $0x8  }
0x23: {  	_ =	swait.ge @!p0 [sflag:s13], $0x800  }
0x24: {  	[sflag:s13] =	ssyncset.done @!p0 $0x0  }
0x25: {  	[sflag:s13] =	ssyncadd.s32 @!p0 $0xFFFFF800  }
0x26: {  	[bflag:$0x0] =	sbarrier.arrive $0xFFFF  }
0x27: {  	s14 =	rddreg [dreg:$0x6]  }
0x28: {  	[tilespmem:s28], [sflag:$0x1] =	stream.strided.gather [hbm4b:s14+s26], $0x18700, s28, s26, $0x38;
	[tilespmem:$0x1EB00] =	vst v63  }
0x29: {  	s15 =	rddreg [dreg:$0x7]  }
0x2a: {  	[tilespmem:s29], [sflag:$0x2] =	stream.strided.gather [hbm4b:s15+s26], $0x1000, s28, s26, $0x38;
	[tilespmem:$0x1EB00] =	vst v63  }
0x2b: {  	_ = 	snop  }
0x2c: {  	[tilespmem:s30], [sflag:$0x6] =	stream.linear.gather [spmem:s2], $0x1000, $0x38;
	[tilespmem:$0x1EB00] =	vst v63  }
0x2d: {  	_ =	swait.ge [sflag:s31], $0x18700  }
0x2e: {  	[sflag:s31] =	ssyncset.done $0x0  }
0x2f: {  	s16 =	rddreg [dreg:$0x8];
	[sflag:s31] =	ssyncadd.s32 $0xFFFE7900  }
0x30: {  	[tilespmem:s0], [sflag:$0x3] =	stream.strided.gather [hbm4b:s16+s26], $0x1000, s28, s26, $0x38;
	[tilespmem:$0x1EB00] =	vst v63  }
0x31: {  	_ = 	snop  }
0x32: {  	[tilespmem:s1], [sflag:$0x7] =	stream.linear.gather [spmem:s7], $0x1000, $0x38;
	[tilespmem:$0x1EB00] =	vst v63  }
0x33: {  	_ =	swait.ge [sflag:s4], $0x1000  }
0x34: {  	[sflag:s4] =	ssyncset.done $0x0  }
0x35: {  	[sflag:s4] =	ssyncadd.s32 $0xFFFFF000  }
0x36: {  	_ =	swait.ge [sflag:s5], $0x1000  }
0x37: {  	[sflag:s5] =	ssyncset.done $0x0  }
0x38: {  	s14 =	simm.s32 $0x1CB20;
	[sflag:s5] =	ssyncadd.s32 $0xFFFFF000  }
0x39: {  	v0 =	vld [tilespmem:s14+$0x10]  }
0x3a: {  	v1 =	vld [tilespmem:s14+$0xFFFFFFF0]  }
0x3b: {  	v2 =	vld [tilespmem:s14+$0xFFFFFFE0]  }
0x3c: {  	s15 =	simm.s32 $0x18B20;
	v3 =	vld [tilespmem:s14+$0x0]  }
0x3d: {  	s16 =	simm.s32 $0x1CB60;
	v6 =	vld [tilespmem:s15+$0x10]  }
0x3e: {  	v4 =	vld [tilespmem:s16+$0x10]  }
0x3f: {  	v9 =	vld [tilespmem:s16+$0xFFFFFFF0]  }
0x40: {  	v10 =	vld [tilespmem:s16+$0xFFFFFFE0]  }
0x41: {  	v11 =	vld [tilespmem:s15+$0xFFFFFFE0]  }
0x42: {  	v12 =	vld [tilespmem:s15+$0xFFFFFFF0]  }
0x43: {  	v5 =	vld [tilespmem:s15+$0x0]  }
0x44: {  	v0 =	vld.idx.msk [tilespmem:v0+s28+$0x0], $0xffff  }
0x45: {  	v8 =	vld.idx.msk [tilespmem:v1+s28+$0x0], $0xffff  }
0x46: {  	v7 =	vld.idx.msk [tilespmem:v2+s28+$0x0], $0xffff  }
0x47: {  	v1 =	vld [tilespmem:s16+$0x0]  }
0x48: {  	v2 =	vld.idx.msk [tilespmem:v3+s28+$0x0], $0xffff  }
0x49: {  	s14 =	simm.s32 $0x18B60;
	v4 =	vld.idx.msk [tilespmem:v4+s28+$0x0], $0xffff  }
0x4a: {  	v0 =	vadd.f32 v6, v0;
	v6 =	vld [tilespmem:s14+$0x10]  }
0x4b: {  	s13 =	simm.s32 $0x1AB20;
	v3 =	vld.idx.msk [tilespmem:v9+s28+$0x0], $0xffff;
	v7 =	vadd.f32 v11, v7  }
0x4c: {  	s15 =	simm.s32 $0x40;
	s16 =	simm.s32 $0x1CBA0;
	v8 =	vadd.f32 v12, v8;
	[tilespmem:s13+$0x10] =	vst v0;
	v0 =	vld.idx.msk [tilespmem:v10+s28+$0x0], $0xffff  }
.LBB2_2:
0x4d: {  	v9 =	vld [tilespmem:s16+$0x10];
	s15 =	sadd.s32 $0x40, s15;
	[tilespmem:s13+$0xFFFFFFE0] =	vst v7;
	v2 =	vadd.f32 v5, v2  }
0x4e: {  	v7 =	vld [tilespmem:s16+$0xFFFFFFF0];
	p1 =	slt.u32 s15, $0xFC0;
	[tilespmem:s13+$0xFFFFFFF0] =	vst v8  }
0x4f: {  	v8 =	vld [tilespmem:s16+$0x0];
	v4 =	vadd.f32 v6, v4;
	[tilespmem:s13+$0x0] =	vst v2  }
0x50: {  	s13 =	sadd.s32 $0x40, s13;
	v10 =	vld [tilespmem:s16+$0xFFFFFFE0]  }
0x51: {  	v11 =	vmov v3;
	v2 =	vld.idx.msk [tilespmem:v1+s28+$0x0], $0xffff;
	[tilespmem:s13+$0x10] =	vst v4  }
0x52: {  	v12 =	vld [tilespmem:s14+$0xFFFFFFE0]  }
0x53: {  	v13 =	vld [tilespmem:s14+$0xFFFFFFF0]  }
.Ltmp0:
0x54: {  	v5 =	vld [tilespmem:s14+$0x0];
	v1 =	vmov v8;
	(pc) =	sbr.rel @p1 .LBB2_2-.Ltmp0, $4  }
0x55: {  	s14 =	sadd.s32 $0x40, s14;
	v4 =	vld.idx.msk [tilespmem:v9+s28+$0x0], $0xffff  }
0x56: {  	v6 =	vld [tilespmem:s14+$0x10]  }
0x57: {  	v3 =	vld.idx.msk [tilespmem:v7+s28+$0x0], $0xffff;
	v7 =	vadd.f32 v12, v0  }
0x58: {  	s16 =	sadd.s32 $0x40, s16;
	v0 =	vld.idx.msk [tilespmem:v10+s28+$0x0], $0xffff;
	v8 =	vadd.f32 v13, v11  }
0x59: {  	_ =	sdelay $0x3  }
0x5a: {  	v1 =	vld.idx.msk [tilespmem:v1+s28+$0x0], $0xffff  }
0x5b: {  	v9 =	vld [tilespmem:s14+$0xFFFFFFE0]  }
0x5c: {  	v10 =	vld [tilespmem:s14+$0xFFFFFFF0]  }
0x5d: {  	v11 =	vld [tilespmem:s14+$0x0]  }
0x5e: {  	[tilespmem:s13+$0xFFFFFFE0] =	vst v7;
	v2 =	vadd.f32 v5, v2  }
0x5f: {  	[tilespmem:s13+$0xFFFFFFF0] =	vst v8;
	v4 =	vadd.f32 v6, v4  }
0x60: {  	s15 =	sadd.s32 $0x40, s13;
	[tilespmem:s13+$0x0] =	vst v2;
	v0 =	vadd.f32 v9, v0  }
0x61: {  	[tilespmem:s15+$0x10] =	vst v4;
	v2 =	vadd.f32 v10, v3  }
0x62: {  	[tilespmem:s15+$0xFFFFFFE0] =	vst v0;
	v0 =	vadd.f32 v11, v1  }
0x63: {  	[tilespmem:s15+$0xFFFFFFF0] =	vst v2  }
0x64: {  	[tilespmem:s15+$0x0] =	vst v0  }
0x65: {  	s13 =	rddreg [dreg:$0x9]  }
0x66: {  	[hbm4b:s13+s26] =	stream.strided.scatter [tilespmem:s6], [sflag:$0x4], $0x1000, s28, s26, $0x38;
	[tilespmem:$0x1EB00] =	vst v63  }
0x67: {  	s16 =	rddreg [dreg:$0xa]  }
0x68: {  	[tilespmem:s29], [sflag:$0x2] =	stream.strided.gather [hbm4b:s16+s26], $0x1000, s28, s26, $0x38;
	[tilespmem:$0x1EB00] =	vst v63  }
0x69: {  	_ = 	snop  }
0x6a: {  	[tilespmem:s30], [sflag:$0x6] =	stream.linear.gather [spmem:s23], $0x1000, $0x38;
	[tilespmem:$0x1EB00] =	vst v63  }
0x6b: {  	_ =	swait.ge [sflag:s8], $0x1000  }
0x6c: {  	[sflag:s8] =	ssyncset.done $0x0  }
0x6d: {  	[sflag:s8] =	ssyncadd.s32 $0xFFFFF000  }
0x6e: {  	_ =	swait.ge [sflag:s9], $0x1000  }
0x6f: {  	[sflag:s9] =	ssyncset.done $0x0  }
0x70: {  	s14 =	simm.s32 $0x1DB20;
	[sflag:s9] =	ssyncadd.s32 $0xFFFFF000  }
0x71: {  	v0 =	vld [tilespmem:s14+$0x10]  }
0x72: {  	v1 =	vld [tilespmem:s14+$0xFFFFFFF0]  }
0x73: {  	v2 =	vld [tilespmem:s14+$0xFFFFFFE0]  }
0x74: {  	s15 =	simm.s32 $0x19B20;
	v3 =	vld [tilespmem:s14+$0x0]  }
0x75: {  	s16 =	simm.s32 $0x1DB60;
	v6 =	vld [tilespmem:s15+$0x10]  }
0x76: {  	v4 =	vld [tilespmem:s16+$0x10]  }
0x77: {  	v9 =	vld [tilespmem:s16+$0xFFFFFFF0]  }
0x78: {  	v10 =	vld [tilespmem:s16+$0xFFFFFFE0]  }
0x79: {  	v11 =	vld [tilespmem:s15+$0xFFFFFFE0]  }
0x7a: {  	v12 =	vld [tilespmem:s15+$0xFFFFFFF0]  }
0x7b: {  	v5 =	vld [tilespmem:s15+$0x0]  }
0x7c: {  	v0 =	vld.idx.msk [tilespmem:v0+s28+$0x0], $0xffff  }
0x7d: {  	v8 =	vld.idx.msk [tilespmem:v1+s28+$0x0], $0xffff  }
0x7e: {  	v7 =	vld.idx.msk [tilespmem:v2+s28+$0x0], $0xffff  }
0x7f: {  	v1 =	vld [tilespmem:s16+$0x0]  }
0x80: {  	v2 =	vld.idx.msk [tilespmem:v3+s28+$0x0], $0xffff  }
0x81: {  	s14 =	simm.s32 $0x19B60;
	v4 =	vld.idx.msk [tilespmem:v4+s28+$0x0], $0xffff  }
0x82: {  	v0 =	vadd.f32 v6, v0;
	v6 =	vld [tilespmem:s14+$0x10]  }
0x83: {  	s13 =	simm.s32 $0x1BB20;
	v3 =	vld.idx.msk [tilespmem:v9+s28+$0x0], $0xffff;
	v7 =	vadd.f32 v11, v7  }
0x84: {  	s15 =	simm.s32 $0x40;
	s16 =	simm.s32 $0x1DBA0;
	v8 =	vadd.f32 v12, v8;
	[tilespmem:s13+$0x10] =	vst v0;
	v0 =	vld.idx.msk [tilespmem:v10+s28+$0x0], $0xffff  }
.LBB2_4:
0x85: {  	v9 =	vld [tilespmem:s16+$0x10];
	s15 =	sadd.s32 $0x40, s15;
	[tilespmem:s13+$0xFFFFFFE0] =	vst v7;
	v2 =	vadd.f32 v5, v2  }
0x86: {  	v7 =	vld [tilespmem:s16+$0xFFFFFFF0];
	p1 =	slt.u32 s15, $0xFC0;
	[tilespmem:s13+$0xFFFFFFF0] =	vst v8  }
0x87: {  	v8 =	vld [tilespmem:s16+$0x0];
	v4 =	vadd.f32 v6, v4;
	[tilespmem:s13+$0x0] =	vst v2  }
0x88: {  	s13 =	sadd.s32 $0x40, s13;
	v10 =	vld [tilespmem:s16+$0xFFFFFFE0]  }
0x89: {  	v11 =	vmov v3;
	v2 =	vld.idx.msk [tilespmem:v1+s28+$0x0], $0xffff;
	[tilespmem:s13+$0x10] =	vst v4  }
0x8a: {  	v12 =	vld [tilespmem:s14+$0xFFFFFFE0]  }
0x8b: {  	v13 =	vld [tilespmem:s14+$0xFFFFFFF0]  }
.Ltmp1:
0x8c: {  	v5 =	vld [tilespmem:s14+$0x0];
	v1 =	vmov v8;
	(pc) =	sbr.rel @p1 .LBB2_4-.Ltmp1, $4  }
0x8d: {  	s14 =	sadd.s32 $0x40, s14;
	v4 =	vld.idx.msk [tilespmem:v9+s28+$0x0], $0xffff  }
0x8e: {  	v6 =	vld [tilespmem:s14+$0x10]  }
0x8f: {  	v3 =	vld.idx.msk [tilespmem:v7+s28+$0x0], $0xffff;
	v7 =	vadd.f32 v12, v0  }
0x90: {  	s16 =	sadd.s32 $0x40, s16;
	v0 =	vld.idx.msk [tilespmem:v10+s28+$0x0], $0xffff;
	v8 =	vadd.f32 v13, v11  }
0x91: {  	_ =	sdelay $0x3  }
0x92: {  	v1 =	vld.idx.msk [tilespmem:v1+s28+$0x0], $0xffff  }
0x93: {  	v9 =	vld [tilespmem:s14+$0xFFFFFFE0]  }
0x94: {  	v10 =	vld [tilespmem:s14+$0xFFFFFFF0]  }
0x95: {  	v11 =	vld [tilespmem:s14+$0x0]  }
0x96: {  	[tilespmem:s13+$0xFFFFFFE0] =	vst v7;
	v2 =	vadd.f32 v5, v2  }
0x97: {  	[tilespmem:s13+$0xFFFFFFF0] =	vst v8;
	v4 =	vadd.f32 v6, v4  }
0x98: {  	s15 =	sadd.s32 $0x40, s13;
	[tilespmem:s13+$0x0] =	vst v2;
	v0 =	vadd.f32 v9, v0  }
0x99: {  	[tilespmem:s15+$0x10] =	vst v4;
	v2 =	vadd.f32 v10, v3  }
0x9a: {  	[tilespmem:s15+$0xFFFFFFE0] =	vst v0;
	v0 =	vadd.f32 v11, v1  }
0x9b: {  	[tilespmem:s15+$0xFFFFFFF0] =	vst v2  }
0x9c: {  	[tilespmem:s15+$0x0] =	vst v0  }
0x9d: {  	s13 =	rddreg [dreg:$0xb]  }
0x9e: {  	[hbm4b:s13+s26] =	stream.strided.scatter [tilespmem:s10], [sflag:$0x5], $0x1000, s28, s26, $0x38;
	[tilespmem:$0x1EB00] =	vst v63  }
0x9f: {  	s16 =	rddreg [dreg:$0xc]  }
0xa0: {  	[tilespmem:s0], [sflag:$0x3] =	stream.strided.gather [hbm4b:s16+s26], $0x1000, s28, s26, $0x38;
	[tilespmem:$0x1EB00] =	vst v63  }
0xa1: {  	_ = 	snop  }
0xa2: {  	[tilespmem:s1], [sflag:$0x7] =	stream.linear.gather [spmem:s24], $0x1000, $0x38;
	[tilespmem:$0x1EB00] =	vst v63  }
0xa3: {  	_ =	swait.ge [sflag:s4], $0x1000  }
0xa4: {  	[sflag:s4] =	ssyncset.done $0x0  }
0xa5: {  	[sflag:s4] =	ssyncadd.s32 $0xFFFFF000  }
0xa6: {  	_ =	swait.ge [sflag:s5], $0x1000  }
0xa7: {  	[sflag:s5] =	ssyncset.done $0x0  }
0xa8: {  	[sflag:s5] =	ssyncadd.s32 $0xFFFFF000  }
0xa9: {  	_ =	swait.ge [sflag:s11], $0x1000  }
0xaa: {  	[sflag:s11] =	ssyncset.done $0x0  }
0xab: {  	s14 =	simm.s32 $0x1CB20;
	[sflag:s11] =	ssyncadd.s32 $0xFFFFF000  }
0xac: {  	v0 =	vld [tilespmem:s14+$0x10]  }
0xad: {  	v1 =	vld [tilespmem:s14+$0xFFFFFFF0]  }
0xae: {  	v2 =	vld [tilespmem:s14+$0xFFFFFFE0]  }
0xaf: {  	s15 =	simm.s32 $0x18B20;
	v3 =	vld [tilespmem:s14+$0x0]  }
0xb0: {  	s16 =	simm.s32 $0x1CB60;
	v6 =	vld [tilespmem:s15+$0x10]  }
0xb1: {  	v4 =	vld [tilespmem:s16+$0x10]  }
0xb2: {  	v9 =	vld [tilespmem:s16+$0xFFFFFFF0]  }
0xb3: {  	v10 =	vld [tilespmem:s16+$0xFFFFFFE0]  }
0xb4: {  	v11 =	vld [tilespmem:s15+$0xFFFFFFE0]  }
0xb5: {  	v12 =	vld [tilespmem:s15+$0xFFFFFFF0]  }
0xb6: {  	v5 =	vld [tilespmem:s15+$0x0]  }
0xb7: {  	v0 =	vld.idx.msk [tilespmem:v0+s28+$0x0], $0xffff  }
0xb8: {  	v8 =	vld.idx.msk [tilespmem:v1+s28+$0x0], $0xffff  }
0xb9: {  	v7 =	vld.idx.msk [tilespmem:v2+s28+$0x0], $0xffff  }
0xba: {  	v1 =	vld [tilespmem:s16+$0x0]  }
0xbb: {  	v2 =	vld.idx.msk [tilespmem:v3+s28+$0x0], $0xffff  }
0xbc: {  	s14 =	simm.s32 $0x18B60;
	v4 =	vld.idx.msk [tilespmem:v4+s28+$0x0], $0xffff  }
0xbd: {  	v0 =	vadd.f32 v6, v0;
	v6 =	vld [tilespmem:s14+$0x10]  }
0xbe: {  	s13 =	simm.s32 $0x1AB20;
	v3 =	vld.idx.msk [tilespmem:v9+s28+$0x0], $0xffff;
	v7 =	vadd.f32 v11, v7  }
0xbf: {  	s15 =	simm.s32 $0x40;
	s16 =	simm.s32 $0x1CBA0;
	v8 =	vadd.f32 v12, v8;
	[tilespmem:s13+$0x10] =	vst v0;
	v0 =	vld.idx.msk [tilespmem:v10+s28+$0x0], $0xffff  }
.LBB2_6:
0xc0: {  	v9 =	vld [tilespmem:s16+$0x10];
	s15 =	sadd.s32 $0x40, s15;
	[tilespmem:s13+$0xFFFFFFE0] =	vst v7;
	v2 =	vadd.f32 v5, v2  }
0xc1: {  	v7 =	vld [tilespmem:s16+$0xFFFFFFF0];
	p1 =	slt.u32 s15, $0xFC0;
	[tilespmem:s13+$0xFFFFFFF0] =	vst v8  }
0xc2: {  	v8 =	vld [tilespmem:s16+$0x0];
	v4 =	vadd.f32 v6, v4;
	[tilespmem:s13+$0x0] =	vst v2  }
0xc3: {  	s13 =	sadd.s32 $0x40, s13;
	v10 =	vld [tilespmem:s16+$0xFFFFFFE0]  }
0xc4: {  	v11 =	vmov v3;
	v2 =	vld.idx.msk [tilespmem:v1+s28+$0x0], $0xffff;
	[tilespmem:s13+$0x10] =	vst v4  }
0xc5: {  	v12 =	vld [tilespmem:s14+$0xFFFFFFE0]  }
0xc6: {  	v13 =	vld [tilespmem:s14+$0xFFFFFFF0]  }
.Ltmp2:
0xc7: {  	v5 =	vld [tilespmem:s14+$0x0];
	v1 =	vmov v8;
	(pc) =	sbr.rel @p1 .LBB2_6-.Ltmp2, $4  }
0xc8: {  	s14 =	sadd.s32 $0x40, s14;
	v4 =	vld.idx.msk [tilespmem:v9+s28+$0x0], $0xffff  }
0xc9: {  	v6 =	vld [tilespmem:s14+$0x10]  }
0xca: {  	v3 =	vld.idx.msk [tilespmem:v7+s28+$0x0], $0xffff;
	v7 =	vadd.f32 v12, v0  }
0xcb: {  	s16 =	sadd.s32 $0x40, s16;
	v0 =	vld.idx.msk [tilespmem:v10+s28+$0x0], $0xffff;
	v8 =	vadd.f32 v13, v11  }
0xcc: {  	_ =	sdelay $0x3  }
0xcd: {  	v1 =	vld.idx.msk [tilespmem:v1+s28+$0x0], $0xffff  }
0xce: {  	v9 =	vld [tilespmem:s14+$0xFFFFFFE0]  }
0xcf: {  	v10 =	vld [tilespmem:s14+$0xFFFFFFF0]  }
0xd0: {  	v11 =	vld [tilespmem:s14+$0x0]  }
0xd1: {  	[tilespmem:s13+$0xFFFFFFE0] =	vst v7;
	v2 =	vadd.f32 v5, v2  }
0xd2: {  	[tilespmem:s13+$0xFFFFFFF0] =	vst v8;
	v4 =	vadd.f32 v6, v4  }
0xd3: {  	s16 =	sadd.s32 $0x40, s13;
	[tilespmem:s13+$0x0] =	vst v2;
	v0 =	vadd.f32 v9, v0  }
0xd4: {  	[tilespmem:s16+$0x10] =	vst v4;
	v2 =	vadd.f32 v10, v3  }
0xd5: {  	[tilespmem:s16+$0xFFFFFFE0] =	vst v0;
	v0 =	vadd.f32 v11, v1  }
0xd6: {  	[tilespmem:s16+$0xFFFFFFF0] =	vst v2  }
0xd7: {  	[tilespmem:s16+$0x0] =	vst v0  }
0xd8: {  	s13 =	rddreg [dreg:$0xd]  }
0xd9: {  	[hbm4b:s13+s26] =	stream.strided.scatter [tilespmem:s6], [sflag:$0x4], $0x1000, s28, s26, $0x38;
	[tilespmem:$0x1EB00] =	vst v63  }
0xda: {  	_ =	swait.ge [sflag:s8], $0x1000  }
0xdb: {  	[sflag:s8] =	ssyncset.done $0x0  }
0xdc: {  	[sflag:s8] =	ssyncadd.s32 $0xFFFFF000  }
0xdd: {  	_ =	swait.ge [sflag:s9], $0x1000  }
0xde: {  	[sflag:s9] =	ssyncset.done $0x0  }
0xdf: {  	[sflag:s9] =	ssyncadd.s32 $0xFFFFF000  }
0xe0: {  	_ =	swait.ge [sflag:s12], $0x1000  }
0xe1: {  	[sflag:s12] =	ssyncset.done $0x0  }
0xe2: {  	s14 =	simm.s32 $0x1DB20;
	[sflag:s12] =	ssyncadd.s32 $0xFFFFF000  }
0xe3: {  	v0 =	vld [tilespmem:s14+$0x10]  }
0xe4: {  	v1 =	vld [tilespmem:s14+$0xFFFFFFF0]  }
0xe5: {  	v2 =	vld [tilespmem:s14+$0xFFFFFFE0]  }
0xe6: {  	s15 =	simm.s32 $0x19B20;
	v3 =	vld [tilespmem:s14+$0x0]  }
0xe7: {  	s16 =	simm.s32 $0x1DB60;
	v6 =	vld [tilespmem:s15+$0x10]  }
0xe8: {  	v4 =	vld [tilespmem:s16+$0x10]  }
0xe9: {  	v9 =	vld [tilespmem:s16+$0xFFFFFFF0]  }
0xea: {  	v10 =	vld [tilespmem:s16+$0xFFFFFFE0]  }
0xeb: {  	v11 =	vld [tilespmem:s15+$0xFFFFFFE0]  }
0xec: {  	v12 =	vld [tilespmem:s15+$0xFFFFFFF0]  }
0xed: {  	v5 =	vld [tilespmem:s15+$0x0]  }
0xee: {  	v0 =	vld.idx.msk [tilespmem:v0+s28+$0x0], $0xffff  }
0xef: {  	v8 =	vld.idx.msk [tilespmem:v1+s28+$0x0], $0xffff  }
0xf0: {  	v7 =	vld.idx.msk [tilespmem:v2+s28+$0x0], $0xffff  }
0xf1: {  	v1 =	vld [tilespmem:s16+$0x0]  }
0xf2: {  	v2 =	vld.idx.msk [tilespmem:v3+s28+$0x0], $0xffff  }
0xf3: {  	s14 =	simm.s32 $0x19B60;
	v4 =	vld.idx.msk [tilespmem:v4+s28+$0x0], $0xffff  }
0xf4: {  	v0 =	vadd.f32 v6, v0;
	v6 =	vld [tilespmem:s14+$0x10]  }
0xf5: {  	s13 =	simm.s32 $0x1BB20;
	v3 =	vld.idx.msk [tilespmem:v9+s28+$0x0], $0xffff;
	v7 =	vadd.f32 v11, v7  }
0xf6: {  	s15 =	simm.s32 $0x40;
	s16 =	simm.s32 $0x1DBA0;
	v8 =	vadd.f32 v12, v8;
	[tilespmem:s13+$0x10] =	vst v0;
	v0 =	vld.idx.msk [tilespmem:v10+s28+$0x0], $0xffff  }
.LBB2_8:
0xf7: {  	v9 =	vld [tilespmem:s16+$0x10];
	s15 =	sadd.s32 $0x40, s15;
	[tilespmem:s13+$0xFFFFFFE0] =	vst v7;
	v2 =	vadd.f32 v5, v2  }
0xf8: {  	v7 =	vld [tilespmem:s16+$0xFFFFFFF0];
	p1 =	slt.u32 s15, $0xFC0;
	[tilespmem:s13+$0xFFFFFFF0] =	vst v8  }
0xf9: {  	v8 =	vld [tilespmem:s16+$0x0];
	v4 =	vadd.f32 v6, v4;
	[tilespmem:s13+$0x0] =	vst v2  }
0xfa: {  	s13 =	sadd.s32 $0x40, s13;
	v10 =	vld [tilespmem:s16+$0xFFFFFFE0]  }
0xfb: {  	v11 =	vmov v3;
	v2 =	vld.idx.msk [tilespmem:v1+s28+$0x0], $0xffff;
	[tilespmem:s13+$0x10] =	vst v4  }
0xfc: {  	v12 =	vld [tilespmem:s14+$0xFFFFFFE0]  }
0xfd: {  	v13 =	vld [tilespmem:s14+$0xFFFFFFF0]  }
.Ltmp3:
0xfe: {  	v5 =	vld [tilespmem:s14+$0x0];
	v1 =	vmov v8;
	(pc) =	sbr.rel @p1 .LBB2_8-.Ltmp3, $4  }
0xff: {  	s14 =	sadd.s32 $0x40, s14;
	v4 =	vld.idx.msk [tilespmem:v9+s28+$0x0], $0xffff  }
0x100: {  	v6 =	vld [tilespmem:s14+$0x10]  }
0x101: {  	v3 =	vld.idx.msk [tilespmem:v7+s28+$0x0], $0xffff;
	v7 =	vadd.f32 v12, v0  }
0x102: {  	s16 =	sadd.s32 $0x40, s16;
	v0 =	vld.idx.msk [tilespmem:v10+s28+$0x0], $0xffff;
	v8 =	vadd.f32 v13, v11  }
0x103: {  	_ =	sdelay $0x3  }
0x104: {  	v1 =	vld.idx.msk [tilespmem:v1+s28+$0x0], $0xffff  }
0x105: {  	v9 =	vld [tilespmem:s14+$0xFFFFFFE0]  }
0x106: {  	v10 =	vld [tilespmem:s14+$0xFFFFFFF0]  }
0x107: {  	v11 =	vld [tilespmem:s14+$0x0]  }
0x108: {  	[tilespmem:s13+$0xFFFFFFE0] =	vst v7;
	v2 =	vadd.f32 v5, v2  }
0x109: {  	[tilespmem:s13+$0xFFFFFFF0] =	vst v8;
	v4 =	vadd.f32 v6, v4  }
0x10a: {  	s16 =	sadd.s32 $0x40, s13;
	[tilespmem:s13+$0x0] =	vst v2;
	v0 =	vadd.f32 v9, v0  }
0x10b: {  	[tilespmem:s16+$0x10] =	vst v4;
	v2 =	vadd.f32 v10, v3  }
0x10c: {  	[tilespmem:s16+$0xFFFFFFE0] =	vst v0;
	v0 =	vadd.f32 v11, v1  }
0x10d: {  	[tilespmem:s16+$0xFFFFFFF0] =	vst v2  }
0x10e: {  	[tilespmem:s16+$0x0] =	vst v0  }
0x10f: {  	s13 =	rddreg [dreg:$0xe]  }
0x110: {  	[hbm4b:s13+s26] =	stream.strided.scatter [tilespmem:s10], [sflag:$0x5], $0x1000, s28, s26, $0x38;
	[tilespmem:$0x1EB00] =	vst v63  }
0x111: {  	s14 =	rddreg [dreg:$0xf]  }
0x112: {  	[tilespmem:s28], [sflag:$0x1] =	stream.strided.gather [hbm4b:s14+s26], $0x18700, s28, s26, $0x38;
	[tilespmem:$0x1EB00] =	vst v63  }
0x113: {  	s15 =	rddreg [dreg:$0x10]  }
0x114: {  	[tilespmem:s29], [sflag:$0x2] =	stream.strided.gather [hbm4b:s15+s26], $0x1000, s28, s26, $0x38;
	[tilespmem:$0x1EB00] =	vst v63  }
0x115: {  	_ = 	snop  }
0x116: {  	[tilespmem:s30], [sflag:$0x6] =	stream.linear.gather [spmem:s2], $0x1000, $0x38;
	[tilespmem:$0x1EB00] =	vst v63  }
0x117: {  	_ =	swait.ge [sflag:s31], $0x18700  }
0x118: {  	[sflag:s31] =	ssyncset.done $0x0  }
0x119: {  	s16 =	rddreg [dreg:$0x11];
	[sflag:s31] =	ssyncadd.s32 $0xFFFE7900  }
0x11a: {  	[tilespmem:s0], [sflag:$0x3] =	stream.strided.gather [hbm4b:s16+s26], $0x1000, s28, s26, $0x38;
	[tilespmem:$0x1EB00] =	vst v63  }
0x11b: {  	_ = 	snop  }
0x11c: {  	[tilespmem:s1], [sflag:$0x7] =	stream.linear.gather [spmem:s7], $0x1000, $0x38;
	[tilespmem:$0x1EB00] =	vst v63  }
0x11d: {  	_ =	swait.ge [sflag:s4], $0x1000  }
0x11e: {  	[sflag:s4] =	ssyncset.done $0x0  }
0x11f: {  	[sflag:s4] =	ssyncadd.s32 $0xFFFFF000  }
0x120: {  	_ =	swait.ge [sflag:s5], $0x1000  }
0x121: {  	[sflag:s5] =	ssyncset.done $0x0  }
0x122: {  	[sflag:s5] =	ssyncadd.s32 $0xFFFFF000  }
0x123: {  	_ =	swait.ge [sflag:s11], $0x1000  }
0x124: {  	[sflag:s11] =	ssyncset.done $0x0  }
0x125: {  	s14 =	simm.s32 $0x1CB20;
	[sflag:s11] =	ssyncadd.s32 $0xFFFFF000  }
0x126: {  	v0 =	vld [tilespmem:s14+$0x10]  }
0x127: {  	v1 =	vld [tilespmem:s14+$0xFFFFFFF0]  }
0x128: {  	v2 =	vld [tilespmem:s14+$0xFFFFFFE0]  }
0x129: {  	s15 =	simm.s32 $0x18B20;
	v3 =	vld [tilespmem:s14+$0x0]  }
0x12a: {  	s16 =	simm.s32 $0x1CB60;
	v6 =	vld [tilespmem:s15+$0x10]  }
0x12b: {  	v4 =	vld [tilespmem:s16+$0x10]  }
0x12c: {  	v9 =	vld [tilespmem:s16+$0xFFFFFFF0]  }
0x12d: {  	v10 =	vld [tilespmem:s16+$0xFFFFFFE0]  }
0x12e: {  	v11 =	vld [tilespmem:s15+$0xFFFFFFE0]  }
0x12f: {  	v12 =	vld [tilespmem:s15+$0xFFFFFFF0]  }
0x130: {  	v5 =	vld [tilespmem:s15+$0x0]  }
0x131: {  	v0 =	vld.idx.msk [tilespmem:v0+s28+$0x0], $0xffff  }
0x132: {  	v8 =	vld.idx.msk [tilespmem:v1+s28+$0x0], $0xffff  }
0x133: {  	v7 =	vld.idx.msk [tilespmem:v2+s28+$0x0], $0xffff  }
0x134: {  	v1 =	vld [tilespmem:s16+$0x0]  }
0x135: {  	v2 =	vld.idx.msk [tilespmem:v3+s28+$0x0], $0xffff  }
0x136: {  	s14 =	simm.s32 $0x18B60;
	v4 =	vld.idx.msk [tilespmem:v4+s28+$0x0], $0xffff  }
0x137: {  	v0 =	vadd.f32 v6, v0;
	v6 =	vld [tilespmem:s14+$0x10]  }
0x138: {  	s13 =	simm.s32 $0x1AB20;
	v3 =	vld.idx.msk [tilespmem:v9+s28+$0x0], $0xffff;
	v7 =	vadd.f32 v11, v7  }
0x139: {  	s15 =	simm.s32 $0x40;
	s16 =	simm.s32 $0x1CBA0;
	v8 =	vadd.f32 v12, v8;
	[tilespmem:s13+$0x10] =	vst v0;
	v0 =	vld.idx.msk [tilespmem:v10+s28+$0x0], $0xffff  }
.LBB2_10:
0x13a: {  	v9 =	vld [tilespmem:s16+$0x10];
	s15 =	sadd.s32 $0x40, s15;
	[tilespmem:s13+$0xFFFFFFE0] =	vst v7;
	v2 =	vadd.f32 v5, v2  }
0x13b: {  	v7 =	vld [tilespmem:s16+$0xFFFFFFF0];
	p1 =	slt.u32 s15, $0xFC0;
	[tilespmem:s13+$0xFFFFFFF0] =	vst v8  }
0x13c: {  	v8 =	vld [tilespmem:s16+$0x0];
	v4 =	vadd.f32 v6, v4;
	[tilespmem:s13+$0x0] =	vst v2  }
0x13d: {  	s13 =	sadd.s32 $0x40, s13;
	v10 =	vld [tilespmem:s16+$0xFFFFFFE0]  }
0x13e: {  	v11 =	vmov v3;
	v2 =	vld.idx.msk [tilespmem:v1+s28+$0x0], $0xffff;
	[tilespmem:s13+$0x10] =	vst v4  }
0x13f: {  	v12 =	vld [tilespmem:s14+$0xFFFFFFE0]  }
0x140: {  	v13 =	vld [tilespmem:s14+$0xFFFFFFF0]  }
.Ltmp4:
0x141: {  	v5 =	vld [tilespmem:s14+$0x0];
	v1 =	vmov v8;
	(pc) =	sbr.rel @p1 .LBB2_10-.Ltmp4, $4  }
0x142: {  	s14 =	sadd.s32 $0x40, s14;
	v4 =	vld.idx.msk [tilespmem:v9+s28+$0x0], $0xffff  }
0x143: {  	v6 =	vld [tilespmem:s14+$0x10]  }
0x144: {  	v3 =	vld.idx.msk [tilespmem:v7+s28+$0x0], $0xffff;
	v7 =	vadd.f32 v12, v0  }
0x145: {  	s16 =	sadd.s32 $0x40, s16;
	v0 =	vld.idx.msk [tilespmem:v10+s28+$0x0], $0xffff;
	v8 =	vadd.f32 v13, v11  }
0x146: {  	_ =	sdelay $0x3  }
0x147: {  	v1 =	vld.idx.msk [tilespmem:v1+s28+$0x0], $0xffff  }
0x148: {  	v9 =	vld [tilespmem:s14+$0xFFFFFFE0]  }
0x149: {  	v10 =	vld [tilespmem:s14+$0xFFFFFFF0]  }
0x14a: {  	v11 =	vld [tilespmem:s14+$0x0]  }
0x14b: {  	[tilespmem:s13+$0xFFFFFFE0] =	vst v7;
	v2 =	vadd.f32 v5, v2  }
0x14c: {  	[tilespmem:s13+$0xFFFFFFF0] =	vst v8;
	v4 =	vadd.f32 v6, v4  }
0x14d: {  	s16 =	sadd.s32 $0x40, s13;
	[tilespmem:s13+$0x0] =	vst v2;
	v0 =	vadd.f32 v9, v0  }
0x14e: {  	[tilespmem:s16+$0x10] =	vst v4;
	v2 =	vadd.f32 v10, v3  }
0x14f: {  	[tilespmem:s16+$0xFFFFFFE0] =	vst v0;
	v0 =	vadd.f32 v11, v1  }
0x150: {  	[tilespmem:s16+$0xFFFFFFF0] =	vst v2  }
0x151: {  	[tilespmem:s16+$0x0] =	vst v0  }
0x152: {  	[hbm4b:s17+s26] =	stream.strided.scatter [tilespmem:s6], [sflag:$0x4], $0x1000, s28, s26, $0x38;
	[tilespmem:$0x1EB00] =	vst v63  }
0x153: {  	_ = 	snop  }
0x154: {  	[tilespmem:s29], [sflag:$0x2] =	stream.strided.gather [hbm4b:s18+s26], $0x1000, s28, s26, $0x38;
	[tilespmem:$0x1EB00] =	vst v63  }
0x155: {  	_ = 	snop  }
0x156: {  	[tilespmem:s30], [sflag:$0x6] =	stream.linear.gather [spmem:s23], $0x1000, $0x38;
	[tilespmem:$0x1EB00] =	vst v63  }
0x157: {  	_ =	swait.ge [sflag:s8], $0x1000  }
0x158: {  	[sflag:s8] =	ssyncset.done $0x0  }
0x159: {  	[sflag:s8] =	ssyncadd.s32 $0xFFFFF000  }
0x15a: {  	_ =	swait.ge [sflag:s9], $0x1000  }
0x15b: {  	[sflag:s9] =	ssyncset.done $0x0  }
0x15c: {  	[sflag:s9] =	ssyncadd.s32 $0xFFFFF000  }
0x15d: {  	_ =	swait.ge [sflag:s12], $0x1000  }
0x15e: {  	[sflag:s12] =	ssyncset.done $0x0  }
0x15f: {  	s14 =	simm.s32 $0x1DB20;
	[sflag:s12] =	ssyncadd.s32 $0xFFFFF000  }
0x160: {  	v0 =	vld [tilespmem:s14+$0x10]  }
0x161: {  	v1 =	vld [tilespmem:s14+$0xFFFFFFF0]  }
0x162: {  	v2 =	vld [tilespmem:s14+$0xFFFFFFE0]  }
0x163: {  	s15 =	simm.s32 $0x19B20;
	v3 =	vld [tilespmem:s14+$0x0]  }
0x164: {  	s16 =	simm.s32 $0x1DB60;
	v6 =	vld [tilespmem:s15+$0x10]  }
0x165: {  	v4 =	vld [tilespmem:s16+$0x10]  }
0x166: {  	v9 =	vld [tilespmem:s16+$0xFFFFFFF0]  }
0x167: {  	v10 =	vld [tilespmem:s16+$0xFFFFFFE0]  }
0x168: {  	v11 =	vld [tilespmem:s15+$0xFFFFFFE0]  }
0x169: {  	v12 =	vld [tilespmem:s15+$0xFFFFFFF0]  }
0x16a: {  	v5 =	vld [tilespmem:s15+$0x0]  }
0x16b: {  	v0 =	vld.idx.msk [tilespmem:v0+s28+$0x0], $0xffff  }
0x16c: {  	v8 =	vld.idx.msk [tilespmem:v1+s28+$0x0], $0xffff  }
0x16d: {  	v7 =	vld.idx.msk [tilespmem:v2+s28+$0x0], $0xffff  }
0x16e: {  	v1 =	vld [tilespmem:s16+$0x0]  }
0x16f: {  	v2 =	vld.idx.msk [tilespmem:v3+s28+$0x0], $0xffff  }
0x170: {  	s14 =	simm.s32 $0x19B60;
	v4 =	vld.idx.msk [tilespmem:v4+s28+$0x0], $0xffff  }
0x171: {  	v0 =	vadd.f32 v6, v0;
	v6 =	vld [tilespmem:s14+$0x10]  }
0x172: {  	s13 =	simm.s32 $0x1BB20;
	v3 =	vld.idx.msk [tilespmem:v9+s28+$0x0], $0xffff;
	v7 =	vadd.f32 v11, v7  }
0x173: {  	s15 =	simm.s32 $0x40;
	s16 =	simm.s32 $0x1DBA0;
	v8 =	vadd.f32 v12, v8;
	[tilespmem:s13+$0x10] =	vst v0;
	v0 =	vld.idx.msk [tilespmem:v10+s28+$0x0], $0xffff  }
.LBB2_12:
0x174: {  	v9 =	vld [tilespmem:s16+$0x10];
	s15 =	sadd.s32 $0x40, s15;
	[tilespmem:s13+$0xFFFFFFE0] =	vst v7;
	v2 =	vadd.f32 v5, v2  }
0x175: {  	v7 =	vld [tilespmem:s16+$0xFFFFFFF0];
	p1 =	slt.u32 s15, $0xFC0;
	[tilespmem:s13+$0xFFFFFFF0] =	vst v8  }
0x176: {  	v8 =	vld [tilespmem:s16+$0x0];
	v4 =	vadd.f32 v6, v4;
	[tilespmem:s13+$0x0] =	vst v2  }
0x177: {  	s13 =	sadd.s32 $0x40, s13;
	v10 =	vld [tilespmem:s16+$0xFFFFFFE0]  }
0x178: {  	v11 =	vmov v3;
	v2 =	vld.idx.msk [tilespmem:v1+s28+$0x0], $0xffff;
	[tilespmem:s13+$0x10] =	vst v4  }
0x179: {  	v12 =	vld [tilespmem:s14+$0xFFFFFFE0]  }
0x17a: {  	v13 =	vld [tilespmem:s14+$0xFFFFFFF0]  }
.Ltmp5:
0x17b: {  	v5 =	vld [tilespmem:s14+$0x0];
	v1 =	vmov v8;
	(pc) =	sbr.rel @p1 .LBB2_12-.Ltmp5, $4  }
0x17c: {  	s14 =	sadd.s32 $0x40, s14;
	v4 =	vld.idx.msk [tilespmem:v9+s28+$0x0], $0xffff  }
0x17d: {  	v6 =	vld [tilespmem:s14+$0x10]  }
0x17e: {  	v3 =	vld.idx.msk [tilespmem:v7+s28+$0x0], $0xffff;
	v7 =	vadd.f32 v12, v0  }
0x17f: {  	s16 =	sadd.s32 $0x40, s16;
	v0 =	vld.idx.msk [tilespmem:v10+s28+$0x0], $0xffff;
	v8 =	vadd.f32 v13, v11  }
0x180: {  	_ =	sdelay $0x3  }
0x181: {  	v1 =	vld.idx.msk [tilespmem:v1+s28+$0x0], $0xffff  }
0x182: {  	v9 =	vld [tilespmem:s14+$0xFFFFFFE0]  }
0x183: {  	v10 =	vld [tilespmem:s14+$0xFFFFFFF0]  }
0x184: {  	v11 =	vld [tilespmem:s14+$0x0]  }
0x185: {  	[tilespmem:s13+$0xFFFFFFE0] =	vst v7;
	v2 =	vadd.f32 v5, v2  }
0x186: {  	[tilespmem:s13+$0xFFFFFFF0] =	vst v8;
	v4 =	vadd.f32 v6, v4  }
0x187: {  	s16 =	sadd.s32 $0x40, s13;
	[tilespmem:s13+$0x0] =	vst v2;
	v0 =	vadd.f32 v9, v0  }
0x188: {  	[tilespmem:s16+$0x10] =	vst v4;
	v2 =	vadd.f32 v10, v3  }
0x189: {  	[tilespmem:s16+$0xFFFFFFE0] =	vst v0;
	v0 =	vadd.f32 v11, v1  }
0x18a: {  	[tilespmem:s16+$0xFFFFFFF0] =	vst v2  }
0x18b: {  	[tilespmem:s16+$0x0] =	vst v0  }
0x18c: {  	[hbm4b:s19+s26] =	stream.strided.scatter [tilespmem:s10], [sflag:$0x5], $0x1000, s28, s26, $0x38;
	[tilespmem:$0x1EB00] =	vst v63  }
0x18d: {  	_ = 	snop  }
0x18e: {  	[tilespmem:s0], [sflag:$0x3] =	stream.strided.gather [hbm4b:s20+s26], $0x1000, s28, s26, $0x38;
	[tilespmem:$0x1EB00] =	vst v63  }
0x18f: {  	_ = 	snop  }
0x190: {  	[tilespmem:s1], [sflag:$0x7] =	stream.linear.gather [spmem:s24], $0x1000, $0x38;
	[tilespmem:$0x1EB00] =	vst v63  }
0x191: {  	_ =	swait.ge [sflag:s4], $0x1000  }
0x192: {  	[sflag:s4] =	ssyncset.done $0x0  }
0x193: {  	[sflag:s4] =	ssyncadd.s32 $0xFFFFF000  }
0x194: {  	_ =	swait.ge [sflag:s5], $0x1000  }
0x195: {  	[sflag:s5] =	ssyncset.done $0x0  }
0x196: {  	[sflag:s5] =	ssyncadd.s32 $0xFFFFF000  }
0x197: {  	_ =	swait.ge [sflag:s11], $0x1000  }
0x198: {  	[sflag:s11] =	ssyncset.done $0x0  }
0x199: {  	s14 =	simm.s32 $0x1CB20;
	[sflag:s11] =	ssyncadd.s32 $0xFFFFF000  }
0x19a: {  	v0 =	vld [tilespmem:s14+$0x10]  }
0x19b: {  	v1 =	vld [tilespmem:s14+$0xFFFFFFF0]  }
0x19c: {  	v2 =	vld [tilespmem:s14+$0xFFFFFFE0]  }
0x19d: {  	s15 =	simm.s32 $0x18B20;
	v3 =	vld [tilespmem:s14+$0x0]  }
0x19e: {  	s16 =	simm.s32 $0x1CB60;
	v6 =	vld [tilespmem:s15+$0x10]  }
0x19f: {  	v4 =	vld [tilespmem:s16+$0x10]  }
0x1a0: {  	v9 =	vld [tilespmem:s16+$0xFFFFFFF0]  }
0x1a1: {  	v10 =	vld [tilespmem:s16+$0xFFFFFFE0]  }
0x1a2: {  	v11 =	vld [tilespmem:s15+$0xFFFFFFE0]  }
0x1a3: {  	v12 =	vld [tilespmem:s15+$0xFFFFFFF0]  }
0x1a4: {  	v5 =	vld [tilespmem:s15+$0x0]  }
0x1a5: {  	v0 =	vld.idx.msk [tilespmem:v0+s28+$0x0], $0xffff  }
0x1a6: {  	v8 =	vld.idx.msk [tilespmem:v1+s28+$0x0], $0xffff  }
0x1a7: {  	v7 =	vld.idx.msk [tilespmem:v2+s28+$0x0], $0xffff  }
0x1a8: {  	v1 =	vld [tilespmem:s16+$0x0]  }
0x1a9: {  	v2 =	vld.idx.msk [tilespmem:v3+s28+$0x0], $0xffff  }
0x1aa: {  	s14 =	simm.s32 $0x18B60;
	v4 =	vld.idx.msk [tilespmem:v4+s28+$0x0], $0xffff  }
0x1ab: {  	v0 =	vadd.f32 v6, v0;
	v6 =	vld [tilespmem:s14+$0x10]  }
0x1ac: {  	s13 =	simm.s32 $0x1AB20;
	v3 =	vld.idx.msk [tilespmem:v9+s28+$0x0], $0xffff;
	v7 =	vadd.f32 v11, v7  }
0x1ad: {  	s15 =	simm.s32 $0x40;
	s16 =	simm.s32 $0x1CBA0;
	v8 =	vadd.f32 v12, v8;
	[tilespmem:s13+$0x10] =	vst v0;
	v0 =	vld.idx.msk [tilespmem:v10+s28+$0x0], $0xffff  }
.LBB2_14:
0x1ae: {  	v9 =	vld [tilespmem:s16+$0x10];
	s15 =	sadd.s32 $0x40, s15;
	[tilespmem:s13+$0xFFFFFFE0] =	vst v7;
	v2 =	vadd.f32 v5, v2  }
0x1af: {  	v7 =	vld [tilespmem:s16+$0xFFFFFFF0];
	p1 =	slt.u32 s15, $0xFC0;
	[tilespmem:s13+$0xFFFFFFF0] =	vst v8  }
0x1b0: {  	v8 =	vld [tilespmem:s16+$0x0];
	v4 =	vadd.f32 v6, v4;
	[tilespmem:s13+$0x0] =	vst v2  }
0x1b1: {  	s13 =	sadd.s32 $0x40, s13;
	v10 =	vld [tilespmem:s16+$0xFFFFFFE0]  }
0x1b2: {  	v11 =	vmov v3;
	v2 =	vld.idx.msk [tilespmem:v1+s28+$0x0], $0xffff;
	[tilespmem:s13+$0x10] =	vst v4  }
0x1b3: {  	v12 =	vld [tilespmem:s14+$0xFFFFFFE0]  }
0x1b4: {  	v13 =	vld [tilespmem:s14+$0xFFFFFFF0]  }
.Ltmp6:
0x1b5: {  	v5 =	vld [tilespmem:s14+$0x0];
	v1 =	vmov v8;
	(pc) =	sbr.rel @p1 .LBB2_14-.Ltmp6, $4  }
0x1b6: {  	s14 =	sadd.s32 $0x40, s14;
	v4 =	vld.idx.msk [tilespmem:v9+s28+$0x0], $0xffff  }
0x1b7: {  	v6 =	vld [tilespmem:s14+$0x10]  }
0x1b8: {  	v3 =	vld.idx.msk [tilespmem:v7+s28+$0x0], $0xffff;
	v7 =	vadd.f32 v12, v0  }
0x1b9: {  	s16 =	sadd.s32 $0x40, s16;
	v0 =	vld.idx.msk [tilespmem:v10+s28+$0x0], $0xffff;
	v8 =	vadd.f32 v13, v11  }
0x1ba: {  	_ =	sdelay $0x3  }
0x1bb: {  	v1 =	vld.idx.msk [tilespmem:v1+s28+$0x0], $0xffff  }
0x1bc: {  	v9 =	vld [tilespmem:s14+$0xFFFFFFE0]  }
0x1bd: {  	v10 =	vld [tilespmem:s14+$0xFFFFFFF0]  }
0x1be: {  	v11 =	vld [tilespmem:s14+$0x0]  }
0x1bf: {  	[tilespmem:s13+$0xFFFFFFE0] =	vst v7;
	v2 =	vadd.f32 v5, v2  }
0x1c0: {  	[tilespmem:s13+$0xFFFFFFF0] =	vst v8;
	v4 =	vadd.f32 v6, v4  }
0x1c1: {  	s16 =	sadd.s32 $0x40, s13;
	[tilespmem:s13+$0x0] =	vst v2;
	v0 =	vadd.f32 v9, v0  }
0x1c2: {  	[tilespmem:s16+$0x10] =	vst v4;
	v2 =	vadd.f32 v10, v3  }
0x1c3: {  	[tilespmem:s16+$0xFFFFFFE0] =	vst v0;
	v0 =	vadd.f32 v11, v1  }
0x1c4: {  	[tilespmem:s16+$0xFFFFFFF0] =	vst v2  }
0x1c5: {  	[tilespmem:s16+$0x0] =	vst v0  }
0x1c6: {  	[hbm4b:s21+s26] =	stream.strided.scatter [tilespmem:s6], [sflag:$0x4], $0x1000, s28, s26, $0x38;
	[tilespmem:$0x1EB00] =	vst v63  }
0x1c7: {  	_ =	swait.ge [sflag:s8], $0x1000  }
0x1c8: {  	[sflag:s8] =	ssyncset.done $0x0  }
0x1c9: {  	[sflag:s8] =	ssyncadd.s32 $0xFFFFF000  }
0x1ca: {  	_ =	swait.ge [sflag:s9], $0x1000  }
0x1cb: {  	[sflag:s9] =	ssyncset.done $0x0  }
0x1cc: {  	[sflag:s9] =	ssyncadd.s32 $0xFFFFF000  }
0x1cd: {  	_ =	swait.ge [sflag:s12], $0x1000  }
0x1ce: {  	[sflag:s12] =	ssyncset.done $0x0  }
0x1cf: {  	s14 =	simm.s32 $0x1DB20;
	[sflag:s12] =	ssyncadd.s32 $0xFFFFF000  }
0x1d0: {  	v0 =	vld [tilespmem:s14+$0x10]  }
0x1d1: {  	v1 =	vld [tilespmem:s14+$0xFFFFFFF0]  }
0x1d2: {  	v2 =	vld [tilespmem:s14+$0xFFFFFFE0]  }
0x1d3: {  	s15 =	simm.s32 $0x19B20;
	v3 =	vld [tilespmem:s14+$0x0]  }
0x1d4: {  	s16 =	simm.s32 $0x1DB60;
	v6 =	vld [tilespmem:s15+$0x10]  }
0x1d5: {  	v4 =	vld [tilespmem:s16+$0x10]  }
0x1d6: {  	v9 =	vld [tilespmem:s16+$0xFFFFFFF0]  }
0x1d7: {  	v10 =	vld [tilespmem:s16+$0xFFFFFFE0]  }
0x1d8: {  	v11 =	vld [tilespmem:s15+$0xFFFFFFE0]  }
0x1d9: {  	v12 =	vld [tilespmem:s15+$0xFFFFFFF0]  }
0x1da: {  	v5 =	vld [tilespmem:s15+$0x0]  }
0x1db: {  	v0 =	vld.idx.msk [tilespmem:v0+s28+$0x0], $0xffff  }
0x1dc: {  	v8 =	vld.idx.msk [tilespmem:v1+s28+$0x0], $0xffff  }
0x1dd: {  	v7 =	vld.idx.msk [tilespmem:v2+s28+$0x0], $0xffff  }
0x1de: {  	v1 =	vld [tilespmem:s16+$0x0]  }
0x1df: {  	v2 =	vld.idx.msk [tilespmem:v3+s28+$0x0], $0xffff  }
0x1e0: {  	s14 =	simm.s32 $0x19B60;
	v4 =	vld.idx.msk [tilespmem:v4+s28+$0x0], $0xffff  }
0x1e1: {  	v0 =	vadd.f32 v6, v0;
	v6 =	vld [tilespmem:s14+$0x10]  }
0x1e2: {  	s13 =	simm.s32 $0x1BB20;
	v3 =	vld.idx.msk [tilespmem:v9+s28+$0x0], $0xffff;
	v7 =	vadd.f32 v11, v7  }
0x1e3: {  	s15 =	simm.s32 $0x40;
	s16 =	simm.s32 $0x1DBA0;
	v8 =	vadd.f32 v12, v8;
	[tilespmem:s13+$0x10] =	vst v0;
	v0 =	vld.idx.msk [tilespmem:v10+s28+$0x0], $0xffff  }
.LBB2_16:
0x1e4: {  	v9 =	vld [tilespmem:s16+$0x10];
	s15 =	sadd.s32 $0x40, s15;
	[tilespmem:s13+$0xFFFFFFE0] =	vst v7;
	v2 =	vadd.f32 v5, v2  }
0x1e5: {  	v7 =	vld [tilespmem:s16+$0xFFFFFFF0];
	p1 =	slt.u32 s15, $0xFC0;
	[tilespmem:s13+$0xFFFFFFF0] =	vst v8  }
0x1e6: {  	v8 =	vld [tilespmem:s16+$0x0];
	v4 =	vadd.f32 v6, v4;
	[tilespmem:s13+$0x0] =	vst v2  }
0x1e7: {  	s13 =	sadd.s32 $0x40, s13;
	v10 =	vld [tilespmem:s16+$0xFFFFFFE0]  }
0x1e8: {  	v11 =	vmov v3;
	v2 =	vld.idx.msk [tilespmem:v1+s28+$0x0], $0xffff;
	[tilespmem:s13+$0x10] =	vst v4  }
0x1e9: {  	v12 =	vld [tilespmem:s14+$0xFFFFFFE0]  }
0x1ea: {  	v13 =	vld [tilespmem:s14+$0xFFFFFFF0]  }
.Ltmp7:
0x1eb: {  	v5 =	vld [tilespmem:s14+$0x0];
	v1 =	vmov v8;
	(pc) =	sbr.rel @p1 .LBB2_16-.Ltmp7, $4  }
0x1ec: {  	s14 =	sadd.s32 $0x40, s14;
	v4 =	vld.idx.msk [tilespmem:v9+s28+$0x0], $0xffff  }
0x1ed: {  	v6 =	vld [tilespmem:s14+$0x10]  }
0x1ee: {  	v3 =	vld.idx.msk [tilespmem:v7+s28+$0x0], $0xffff;
	v7 =	vadd.f32 v12, v0  }
0x1ef: {  	s16 =	sadd.s32 $0x40, s16;
	v0 =	vld.idx.msk [tilespmem:v10+s28+$0x0], $0xffff;
	v8 =	vadd.f32 v13, v11  }
0x1f0: {  	_ =	sdelay $0x3  }
0x1f1: {  	v1 =	vld.idx.msk [tilespmem:v1+s28+$0x0], $0xffff  }
0x1f2: {  	v9 =	vld [tilespmem:s14+$0xFFFFFFE0]  }
0x1f3: {  	v10 =	vld [tilespmem:s14+$0xFFFFFFF0]  }
0x1f4: {  	v11 =	vld [tilespmem:s14+$0x0]  }
0x1f5: {  	[tilespmem:s13+$0xFFFFFFE0] =	vst v7;
	v2 =	vadd.f32 v5, v2  }
0x1f6: {  	[tilespmem:s13+$0xFFFFFFF0] =	vst v8;
	v4 =	vadd.f32 v6, v4  }
0x1f7: {  	s16 =	sadd.s32 $0x40, s13;
	[tilespmem:s13+$0x0] =	vst v2;
	v0 =	vadd.f32 v9, v0  }
0x1f8: {  	[tilespmem:s16+$0x10] =	vst v4;
	v62 =	vadd.f32 v10, v3  }
0x1f9: {  	v63 =	vadd.f32 v11, v1;
	[tilespmem:s16+$0xFFFFFFE0] =	vst v0  }
0x1fa: {  	[tilespmem:s16+$0xFFFFFFF0] =	vst v62  }
0x1fb: {  	s3 =	sadd.s32 $0x1, s3;
	[tilespmem:s16+$0x0] =	vst v63  }
0x1fc: {  	[hbm4b:s22+s26] =	stream.strided.scatter [tilespmem:s10], [sflag:$0x5], $0x1000, s28, s26, $0x38;
	[tilespmem:$0x1EB00] =	vst v63  }
0x1fd: {  	p1 =	sne.s32 s3, s25;
	_ =	swait.ge [sflag:s11], $0x1000  }
.Ltmp8:
0x1fe: {  	[sflag:s11] =	ssyncset.done $0x0;
	(pc) =	sbr.rel @p1 .LBB2_1-.Ltmp8, $4  }
0x1ff: {  	[sflag:s11] =	ssyncadd.s32 $0xFFFFF000  }
0x200: {  	_ =	swait.ge [sflag:s12], $0x1000  }
0x201: {  	[sflag:s12] =	ssyncset.done $0x0  }
0x202: {  	[sflag:s12] =	ssyncadd.s32 $0xFFFFF000  }
0x203: {  	_ =	sfence.sel $0x180000  }
0x204: {  	[bflag:$0x0] =	sbarrier.arrive $0xFFFF  }
0x205: {  	_ =	strace $0x90000047  }
0x206: {  	[bflag:$0x2] =	sbarrier.arrive $0xFFFF  }
0x207: {  	s0 =	rddreg [dreg:$0x5]  }
0x208: {  	s0 =	sadd.s32 @!p0 $0x100000, s0  }
0x209: {  	[sflag:s0] =	ssyncadd.tile.s32 @!p0 $0x1;
	_ =	shalt  }
.Lfunc_end2:
_tile_overlayer_lowered:
.L_overlay_start_2:
0x20a: {  	(tag) =	ssettag $0x2  }
0x20b: {  	s0 =	rddreg [dreg:$0x0];
	s2 =	stileid.u32  }
0x20c: {  	s1 =	rddreg [dreg:$0x1];
	p0 =	sne.s32 s2, $0x0  }
0x20d: {  	s3 =	rddreg [dreg:$0x2];
	[bflag:$0x3] =	sbarrier.arrive $0xFFFF;
	s2 =	simm.s32 @!p0 $0x1C08  }
0x20e: {  	[timem:s3], [sflag:s2] =	dma.local @!p0 [hbm:s0], s1  }
0x20f: {  	s0 =	simm.s32 @!p0 $0x8  }
0x210: {  	_ =	swait.ge @!p0 [sflag:s0], s1  }
0x211: {  	s1 =	ssub.s32 @!p0 $0x0, s1;
	[sflag:s0] =	ssyncset.done @!p0 $0x0  }
0x212: {  	[sflag:s0] =	ssyncadd.s32 @!p0 s1  }
0x213: {  	[bflag:$0x3] =	sbarrier.arrive $0xFFFF  }
0x214: {  	_ =	shalt  }

</sc_bundles>
